<compile_context>
chip_gen: v7x
topology: tpu7x:2x2x1
jax: 0.10.2.dev20260603
libtpu: 0.0.44.dev20260713+nightly
codegen_flags: <defaults>
</compile_context>

<pallas_src>
import functools

import jax
import jax.numpy as jnp
from jax import lax
from jax.experimental import pallas as pl
from jax.experimental.pallas import tpu as pltpu
from jax.experimental.pallas import tpu_sc as plsc

_B = 4
_T = 2048
_D = 128
_NPROMPT = 8

_INFO = plsc.get_sparse_core_info()
_NC = _INFO.num_cores
_NS = _INFO.num_subcores
_NW = _NC * _NS
_TPW = _T // _NW
_LANES = 16
_CHUNKS = _D // _LANES


def _body(idx_hbm, wte_hbm, wpe_hbm, prm_hbm, out_hbm,
          idx_v, rows_v, wpe_v, prm_v,
          sem_g0, sem_g1, sem_g2, sem_g3,
          sem_h0, sem_h1, sem_h2, sem_h3, sem_w, sem_p, sem_st):
    gsems = (sem_g0, sem_g1, sem_g2, sem_g3)
    hsems = (sem_h0, sem_h1, sem_h2, sem_h3)
    wid = lax.axis_index("s") * _NC + lax.axis_index("c")
    t0 = wid * _TPW

    idx_cps = [pltpu.async_copy(idx_hbm.at[b, pl.ds(t0, _TPW)], idx_v.at[b],
                                gsems[b]) for b in range(_B)]
    wpe_cp = pltpu.async_copy(wpe_hbm.at[pl.ds(t0, _TPW)], wpe_v, sem_w)

    @pl.when(wid < _B)
    def _():
        pltpu.async_copy(prm_hbm, prm_v, sem_p)

    half = _TPW // 2
    gathers = []
    for b in range(_B):
        idx_cps[b].wait()
        gathers.append((
            pltpu.async_copy(wte_hbm.at[idx_v.at[b, pl.ds(0, half)]],
                             rows_v.at[b].at[pl.ds(0, half)], gsems[b]),
            pltpu.async_copy(wte_hbm.at[idx_v.at[b, pl.ds(half, half)]],
                             rows_v.at[b].at[pl.ds(half, half)], hsems[b]),
        ))
    wpe_cp.wait()

    @pl.when(wid < _B)
    def _():
        pltpu.make_async_copy(prm_hbm, prm_v, sem_p).wait()
        pltpu.async_copy(prm_v, out_hbm.at[wid, pl.ds(0, _NPROMPT)],
                         sem_st)

    stores = []
    for b in range(_B):
        buf = rows_v.at[b]

        def _add_row(i, _):
            for j in range(_CHUNKS):
                sl = pl.ds(j * _LANES, _LANES)
                plsc.addupdate(buf.at[i, sl], wpe_v[i, sl])
            return _

        gathers[b][0].wait()
        lax.fori_loop(0, half, _add_row, None)
        if b == _B - 1:
            stores.append(pltpu.async_copy(
                buf.at[pl.ds(0, half)],
                out_hbm.at[b, pl.ds(_NPROMPT + t0, half)], sem_st))
            gathers[b][1].wait()
            lax.fori_loop(half, _TPW, _add_row, None)
            stores.append(pltpu.async_copy(
                buf.at[pl.ds(half, half)],
                out_hbm.at[b, pl.ds(_NPROMPT + t0 + half, half)], sem_st))
        else:
            gathers[b][1].wait()
            lax.fori_loop(half, _TPW, _add_row, None)
            stores.append(pltpu.async_copy(
                buf, out_hbm.at[b, pl.ds(_NPROMPT + t0, _TPW)], sem_st))

    for cp in stores:
        cp.wait()

    @pl.when(wid < _B)
    def _():
        pltpu.make_async_copy(prm_v, out_hbm.at[wid, pl.ds(0, _NPROMPT)],
                              sem_st).wait()


@functools.partial(jax.jit, static_argnames=())
def kernel(idx, wte, wpe, reasoning_prompts):
    b, t = idx.shape
    assert (b, t) == (_B, _T)
    mesh = plsc.VectorSubcoreMesh(core_axis_name="c", subcore_axis_name="s")
    run = pl.kernel(
        _body,
        out_type=jax.ShapeDtypeStruct((_B, _NPROMPT + _T, _D), jnp.float32),
        mesh=mesh,
        scratch_types=[
            pltpu.VMEM((_B, _TPW), jnp.int32),
            pltpu.VMEM((_B, _TPW, _D), jnp.float32),
            pltpu.VMEM((_TPW, _D), jnp.float32),
            pltpu.VMEM((_NPROMPT, _D), jnp.float32),
            pltpu.SemaphoreType.DMA,
            pltpu.SemaphoreType.DMA,
            pltpu.SemaphoreType.DMA,
            pltpu.SemaphoreType.DMA,
            pltpu.SemaphoreType.DMA,
            pltpu.SemaphoreType.DMA,
            pltpu.SemaphoreType.DMA,
            pltpu.SemaphoreType.DMA,
            pltpu.SemaphoreType.DMA,
            pltpu.SemaphoreType.DMA,
            pltpu.SemaphoreType.DMA,
        ],
    )
    return run(idx.astype(jnp.int32), wte, wpe, reasoning_prompts)

# --- scband reference (transcript-rebuilt; emitter-appended) ---
"""Pipeline reference for scband-reasoning-embeddings-16939351016044 (READ-ONLY COPY).

The authoritative reference and input builder live on the scoring server;
editing this copy changes nothing except your own understanding.
"""

import jax, jax.numpy as jnp
import numpy as np

VOCAB = 100000
BLOCK = 2048
D = 128
B = 4
T = 2048
NP_ = 8

def setup_inputs(seed: int = 0) -> dict:
    key = jax.random.key(seed)
    k1, k2, k3, k4 = jax.random.split(key, 4)
    idx = jax.random.randint(k1, (B, T), 0, VOCAB, dtype=jnp.int64 if jax.config.jax_enable_x64 else jnp.int32)
    wte = jax.random.normal(k2, (VOCAB, D), dtype=jnp.float32) * 0.02
    wpe = jax.random.normal(k3, (BLOCK, D), dtype=jnp.float32) * 0.02
    reasoning_prompts = jax.random.normal(k4, (NP_, D), dtype=jnp.float32) * 0.02
    return {"idx": idx, "wte": wte, "wpe": wpe, "reasoning_prompts": reasoning_prompts}

def reference(idx, wte, wpe, reasoning_prompts):
    b, t = idx.shape
    pos = jnp.arange(0, t, dtype=jnp.int32)
    # token embedding gather + positional embedding gather
    x = jnp.take(wte, idx, axis=0) + jnp.take(wpe, pos, axis=0)[None, :, :]
    prompts = jnp.broadcast_to(reasoning_prompts[None, :, :], (b, reasoning_prompts.shape[0], reasoning_prompts.shape[1]))
    x = jnp.concatenate([prompts, x], axis=1)
    # dropout p=0.0 (eval / identity)
    return x

if __name__ == "__main__":
    import jax
    _d = setup_inputs()
    print(jax.jit(kernel)(*tuple(_d.values())))

</pallas_src>

<mosaic_0001>
#map = affine_map<(d0, d1) -> (0, 0)>
#map1 = affine_map<(d0, d1) -> (0, 0, 0)>
module attributes {stable_mosaic.version = 14 : i64} {
  func.func @_body(%arg0: i32, %arg1: i32, %arg2: memref<4x2048xi32, #tpu.memory_space<hbm>>, %arg3: memref<100000x128xf32, #tpu.memory_space<hbm>>, %arg4: memref<2048x128xf32, #tpu.memory_space<hbm>>, %arg5: memref<8x128xf32, #tpu.memory_space<hbm>>, %arg6: memref<4x2056x128xf32, #tpu.memory_space<hbm>>, %arg7: memref<4x64xi32, #tpu.memory_space<vmem>>, %arg8: memref<4x64x128xf32, #tpu.memory_space<vmem>>, %arg9: memref<64x128xf32, #tpu.memory_space<vmem>>, %arg10: memref<8x128xf32, #tpu.memory_space<vmem>>, %arg11: memref<!tpu.dma_semaphore, #tpu.memory_space<semaphore_mem>>, %arg12: memref<!tpu.dma_semaphore, #tpu.memory_space<semaphore_mem>>, %arg13: memref<!tpu.dma_semaphore, #tpu.memory_space<semaphore_mem>>, %arg14: memref<!tpu.dma_semaphore, #tpu.memory_space<semaphore_mem>>, %arg15: memref<!tpu.dma_semaphore, #tpu.memory_space<semaphore_mem>>, %arg16: memref<!tpu.dma_semaphore, #tpu.memory_space<semaphore_mem>>, %arg17: memref<!tpu.dma_semaphore, #tpu.memory_space<semaphore_mem>>, %arg18: memref<!tpu.dma_semaphore, #tpu.memory_space<semaphore_mem>>, %arg19: memref<!tpu.dma_semaphore, #tpu.memory_space<semaphore_mem>>, %arg20: memref<!tpu.dma_semaphore, #tpu.memory_space<semaphore_mem>>, %arg21: memref<!tpu.dma_semaphore, #tpu.memory_space<semaphore_mem>>) attributes {dimension_semantics = [#tpu.dimension_semantics<core_parallel>, #tpu.dimension_semantics<subcore_parallel>], iteration_bounds = array<i64: 2, 16>, scalar_prefetch = 0 : i64, scratch_operands = 15 : i64, tpu.core_type = #tpu.core_type<sc_vector_subcore>, window_params = [{transform_indices = #map}, {transform_indices = #map}, {transform_indices = #map}, {transform_indices = #map}, {transform_indices = #map1}]} {
    %mul3A = arith.constant 2 : i32
    %mul3A_0 = arith.muli %arg1, %mul3A : i32
    %add3A = arith.addi %mul3A_0, %arg0 : i32
    %mul3A_1 = arith.constant 64 : i32
    %mul3A_2 = arith.muli %add3A, %mul3A_1 : i32
    %dma_start3A = arith.constant 0 : i32
    %dma_start3A_3 = arith.constant 0 : i32
    %dma_start3A_4 = arith.constant 0 : i32
    %dma_start3A_5 = tpu.memref_slice %arg7[%dma_start3A_3, %dma_start3A_4] : memref<4x64xi32, #tpu.memory_space<vmem>> -> memref<1x64xi32, #tpu.memory_space<vmem>>
    %dma_start3A_6 = tpu.memref_squeeze %dma_start3A_5 : memref<1x64xi32, #tpu.memory_space<vmem>> -> memref<64xi32, #tpu.memory_space<vmem>>
    %dma_start3A_7 = tpu.memref_slice %arg2[%dma_start3A, %mul3A_2] : memref<4x2048xi32, #tpu.memory_space<hbm>> -> memref<1x64xi32, #tpu.memory_space<hbm>>
    %dma_start3A_8 = tpu.memref_squeeze %dma_start3A_7 : memref<1x64xi32, #tpu.memory_space<hbm>> -> memref<64xi32, #tpu.memory_space<hbm>>
    %dma_start3A_9 = arith.constant 0 : i32
    %dma_start3A_10 = tpu.memref_slice %arg7[%dma_start3A_3, %dma_start3A_9] : memref<4x64xi32, #tpu.memory_space<vmem>> -> memref<1x64xi32, #tpu.memory_space<vmem>>
    %dma_start3A_11 = tpu.memref_squeeze %dma_start3A_10 : memref<1x64xi32, #tpu.memory_space<vmem>> -> memref<64xi32, #tpu.memory_space<vmem>>
    %dma_start3A_12 = tpu.memref_slice %arg2[%dma_start3A, %mul3A_2] : memref<4x2048xi32, #tpu.memory_space<hbm>> -> memref<1x64xi32, #tpu.memory_space<hbm>>
    %dma_start3A_13 = tpu.memref_squeeze %dma_start3A_12 : memref<1x64xi32, #tpu.memory_space<hbm>> -> memref<64xi32, #tpu.memory_space<hbm>>
    tpu.enqueue_dma source(%dma_start3A_13 : memref<64xi32, #tpu.memory_space<hbm>>) target(%dma_start3A_11 : memref<64xi32, #tpu.memory_space<vmem>>) target_semaphore(%arg11 : memref<!tpu.dma_semaphore, #tpu.memory_space<semaphore_mem>>)
    %dma_start3A_14 = arith.constant 1 : i32
    %dma_start3A_15 = arith.constant 1 : i32
    %dma_start3A_16 = arith.constant 0 : i32
    %dma_start3A_17 = tpu.memref_slice %arg7[%dma_start3A_15, %dma_start3A_16] : memref<4x64xi32, #tpu.memory_space<vmem>> -> memref<1x64xi32, #tpu.memory_space<vmem>>
    %dma_start3A_18 = tpu.memref_squeeze %dma_start3A_17 : memref<1x64xi32, #tpu.memory_space<vmem>> -> memref<64xi32, #tpu.memory_space<vmem>>
    %dma_start3A_19 = tpu.memref_slice %arg2[%dma_start3A_14, %mul3A_2] : memref<4x2048xi32, #tpu.memory_space<hbm>> -> memref<1x64xi32, #tpu.memory_space<hbm>>
    %dma_start3A_20 = tpu.memref_squeeze %dma_start3A_19 : memref<1x64xi32, #tpu.memory_space<hbm>> -> memref<64xi32, #tpu.memory_space<hbm>>
    %dma_start3A_21 = arith.constant 0 : i32
    %dma_start3A_22 = tpu.memref_slice %arg7[%dma_start3A_15, %dma_start3A_21] : memref<4x64xi32, #tpu.memory_space<vmem>> -> memref<1x64xi32, #tpu.memory_space<vmem>>
    %dma_start3A_23 = tpu.memref_squeeze %dma_start3A_22 : memref<1x64xi32, #tpu.memory_space<vmem>> -> memref<64xi32, #tpu.memory_space<vmem>>
    %dma_start3A_24 = tpu.memref_slice %arg2[%dma_start3A_14, %mul3A_2] : memref<4x2048xi32, #tpu.memory_space<hbm>> -> memref<1x64xi32, #tpu.memory_space<hbm>>
    %dma_start3A_25 = tpu.memref_squeeze %dma_start3A_24 : memref<1x64xi32, #tpu.memory_space<hbm>> -> memref<64xi32, #tpu.memory_space<hbm>>
    tpu.enqueue_dma source(%dma_start3A_25 : memref<64xi32, #tpu.memory_space<hbm>>) target(%dma_start3A_23 : memref<64xi32, #tpu.memory_space<vmem>>) target_semaphore(%arg12 : memref<!tpu.dma_semaphore, #tpu.memory_space<semaphore_mem>>)
    %dma_start3A_26 = arith.constant 2 : i32
    %dma_start3A_27 = arith.constant 2 : i32
    %dma_start3A_28 = arith.constant 0 : i32
    %dma_start3A_29 = tpu.memref_slice %arg7[%dma_start3A_27, %dma_start3A_28] : memref<4x64xi32, #tpu.memory_space<vmem>> -> memref<1x64xi32, #tpu.memory_space<vmem>>
    %dma_start3A_30 = tpu.memref_squeeze %dma_start3A_29 : memref<1x64xi32, #tpu.memory_space<vmem>> -> memref<64xi32, #tpu.memory_space<vmem>>
    %dma_start3A_31 = tpu.memref_slice %arg2[%dma_start3A_26, %mul3A_2] : memref<4x2048xi32, #tpu.memory_space<hbm>> -> memref<1x64xi32, #tpu.memory_space<hbm>>
    %dma_start3A_32 = tpu.memref_squeeze %dma_start3A_31 : memref<1x64xi32, #tpu.memory_space<hbm>> -> memref<64xi32, #tpu.memory_space<hbm>>
    %dma_start3A_33 = arith.constant 0 : i32
    %dma_start3A_34 = tpu.memref_slice %arg7[%dma_start3A_27, %dma_start3A_33] : memref<4x64xi32, #tpu.memory_space<vmem>> -> memref<1x64xi32, #tpu.memory_space<vmem>>
    %dma_start3A_35 = tpu.memref_squeeze %dma_start3A_34 : memref<1x64xi32, #tpu.memory_space<vmem>> -> memref<64xi32, #tpu.memory_space<vmem>>
    %dma_start3A_36 = tpu.memref_slice %arg2[%dma_start3A_26, %mul3A_2] : memref<4x2048xi32, #tpu.memory_space<hbm>> -> memref<1x64xi32, #tpu.memory_space<hbm>>
    %dma_start3A_37 = tpu.memref_squeeze %dma_start3A_36 : memref<1x64xi32, #tpu.memory_space<hbm>> -> memref<64xi32, #tpu.memory_space<hbm>>
    tpu.enqueue_dma source(%dma_start3A_37 : memref<64xi32, #tpu.memory_space<hbm>>) target(%dma_start3A_35 : memref<64xi32, #tpu.memory_space<vmem>>) target_semaphore(%arg13 : memref<!tpu.dma_semaphore, #tpu.memory_space<semaphore_mem>>)
    %dma_start3A_38 = arith.constant 3 : i32
    %dma_start3A_39 = arith.constant 3 : i32
    %dma_start3A_40 = arith.constant 0 : i32
    %dma_start3A_41 = tpu.memref_slice %arg7[%dma_start3A_39, %dma_start3A_40] : memref<4x64xi32, #tpu.memory_space<vmem>> -> memref<1x64xi32, #tpu.memory_space<vmem>>
    %dma_start3A_42 = tpu.memref_squeeze %dma_start3A_41 : memref<1x64xi32, #tpu.memory_space<vmem>> -> memref<64xi32, #tpu.memory_space<vmem>>
    %dma_start3A_43 = tpu.memref_slice %arg2[%dma_start3A_38, %mul3A_2] : memref<4x2048xi32, #tpu.memory_space<hbm>> -> memref<1x64xi32, #tpu.memory_space<hbm>>
    %dma_start3A_44 = tpu.memref_squeeze %dma_start3A_43 : memref<1x64xi32, #tpu.memory_space<hbm>> -> memref<64xi32, #tpu.memory_space<hbm>>
    %dma_start3A_45 = arith.constant 0 : i32
    %dma_start3A_46 = tpu.memref_slice %arg7[%dma_start3A_39, %dma_start3A_45] : memref<4x64xi32, #tpu.memory_space<vmem>> -> memref<1x64xi32, #tpu.memory_space<vmem>>
    %dma_start3A_47 = tpu.memref_squeeze %dma_start3A_46 : memref<1x64xi32, #tpu.memory_space<vmem>> -> memref<64xi32, #tpu.memory_space<vmem>>
    %dma_start3A_48 = tpu.memref_slice %arg2[%dma_start3A_38, %mul3A_2] : memref<4x2048xi32, #tpu.memory_space<hbm>> -> memref<1x64xi32, #tpu.memory_space<hbm>>
    %dma_start3A_49 = tpu.memref_squeeze %dma_start3A_48 : memref<1x64xi32, #tpu.memory_space<hbm>> -> memref<64xi32, #tpu.memory_space<hbm>>
    tpu.enqueue_dma source(%dma_start3A_49 : memref<64xi32, #tpu.memory_space<hbm>>) target(%dma_start3A_47 : memref<64xi32, #tpu.memory_space<vmem>>) target_semaphore(%arg14 : memref<!tpu.dma_semaphore, #tpu.memory_space<semaphore_mem>>)
    %dma_start3A_50 = arith.constant 0 : i32
    %dma_start3A_51 = tpu.memref_slice %arg4[%mul3A_2, %dma_start3A_50] : memref<2048x128xf32, #tpu.memory_space<hbm>> -> memref<64x128xf32, #tpu.memory_space<hbm>>
    %dma_start3A_52 = arith.constant 0 : i32
    %dma_start3A_53 = tpu.memref_slice %arg4[%mul3A_2, %dma_start3A_52] : memref<2048x128xf32, #tpu.memory_space<hbm>> -> memref<64x128xf32, #tpu.memory_space<hbm>>
    tpu.enqueue_dma source(%dma_start3A_53 : memref<64x128xf32, #tpu.memory_space<hbm>>) target(%arg9 : memref<64x128xf32, #tpu.memory_space<vmem>>) target_semaphore(%arg19 : memref<!tpu.dma_semaphore, #tpu.memory_space<semaphore_mem>>)
    %lt3A = arith.constant 4 : i32
    %lt3A_54 = arith.cmpi slt, %add3A, %lt3A : i32
    %convert_element_type3A = arith.extui %lt3A_54 : i1 to i32
    %cond3A = arith.constant 0 : i32
    %cond3A_55 = arith.cmpi ne, %convert_element_type3A, %cond3A : i32
    scf.if %cond3A_55 {
      tpu.enqueue_dma source(%arg5 : memref<8x128xf32, #tpu.memory_space<hbm>>) target(%arg10 : memref<8x128xf32, #tpu.memory_space<vmem>>) target_semaphore(%arg20 : memref<!tpu.dma_semaphore, #tpu.memory_space<semaphore_mem>>)
    } else {
    }
    %dma_wait3A = arith.constant 0 : i32
    %dma_wait3A_56 = arith.constant 0 : i32
    %dma_wait3A_57 = arith.constant 0 : i32
    %dma_wait3A_58 = tpu.memref_slice %arg7[%dma_wait3A_56, %dma_wait3A_57] : memref<4x64xi32, #tpu.memory_space<vmem>> -> memref<1x64xi32, #tpu.memory_space<vmem>>
    %dma_wait3A_59 = tpu.memref_squeeze %dma_wait3A_58 : memref<1x64xi32, #tpu.memory_space<vmem>> -> memref<64xi32, #tpu.memory_space<vmem>>
    %dma_wait3A_60 = tpu.memref_slice %arg2[%dma_wait3A, %mul3A_2] : memref<4x2048xi32, #tpu.memory_space<hbm>> -> memref<1x64xi32, #tpu.memory_space<hbm>>
    %dma_wait3A_61 = tpu.memref_squeeze %dma_wait3A_60 : memref<1x64xi32, #tpu.memory_space<hbm>> -> memref<64xi32, #tpu.memory_space<hbm>>
    %dma_wait3A_62 = arith.constant 0 : i32
    %dma_wait3A_63 = tpu.memref_slice %arg7[%dma_wait3A_56, %dma_wait3A_62] : memref<4x64xi32, #tpu.memory_space<vmem>> -> memref<1x64xi32, #tpu.memory_space<vmem>>
    %dma_wait3A_64 = tpu.memref_squeeze %dma_wait3A_63 : memref<1x64xi32, #tpu.memory_space<vmem>> -> memref<64xi32, #tpu.memory_space<vmem>>
    %dma_wait3A_65 = tpu.memref_slice %arg2[%dma_wait3A, %mul3A_2] : memref<4x2048xi32, #tpu.memory_space<hbm>> -> memref<1x64xi32, #tpu.memory_space<hbm>>
    %dma_wait3A_66 = tpu.memref_squeeze %dma_wait3A_65 : memref<1x64xi32, #tpu.memory_space<hbm>> -> memref<64xi32, #tpu.memory_space<hbm>>
    tpu.wait_dma2 semaphore(%arg11 : memref<!tpu.dma_semaphore, #tpu.memory_space<semaphore_mem>>) src(%dma_wait3A_66 : memref<64xi32, #tpu.memory_space<hbm>>) dst(%dma_wait3A_64 : memref<64xi32, #tpu.memory_space<vmem>>)
    %dma_start3A_67 = arith.constant 0 : i32
    %dma_start3A_68 = arith.constant 0 : i32
    %dma_start3A_69 = arith.constant 0 : i32
    %dma_start3A_70 = arith.constant 0 : i32
    %dma_start3A_71 = tpu.memref_slice %arg8[%dma_start3A_68, %dma_start3A_69, %dma_start3A_70] : memref<4x64x128xf32, #tpu.memory_space<vmem>> -> memref<1x64x128xf32, #tpu.memory_space<vmem>>
    %dma_start3A_72 = tpu.memref_squeeze %dma_start3A_71 : memref<1x64x128xf32, #tpu.memory_space<vmem>> -> memref<64x128xf32, #tpu.memory_space<vmem>>
    %dma_start3A_73 = arith.constant 0 : i32
    %dma_start3A_74 = arith.constant 0 : i32
    %dma_start3A_75 = tpu.memref_slice %dma_start3A_72[%dma_start3A_73, %dma_start3A_74] : memref<64x128xf32, #tpu.memory_space<vmem>> -> memref<32x128xf32, #tpu.memory_space<vmem>>
    %dma_start3A_76 = arith.constant 0 : i32
    %dma_start3A_77 = tpu.memref_slice %arg7[%dma_start3A_67, %dma_start3A_76] : memref<4x64xi32, #tpu.memory_space<vmem>> -> memref<1x32xi32, #tpu.memory_space<vmem>>
    %dma_start3A_78 = tpu.memref_squeeze %dma_start3A_77 : memref<1x32xi32, #tpu.memory_space<vmem>> -> memref<32xi32, #tpu.memory_space<vmem>>
    %dma_start3A_79 = arith.constant 0 : i32
    %dma_start3A_80 = arith.constant 0 : i32
    %dma_start3A_81 = tpu.memref_slice %arg3[%dma_start3A_79, %dma_start3A_80] : memref<100000x128xf32, #tpu.memory_space<hbm>> -> memref<100000x128xf32, #tpu.memory_space<hbm>>
    tpu.enqueue_indirect_dma source(%dma_start3A_81 : memref<100000x128xf32, #tpu.memory_space<hbm>>) target(%dma_start3A_75 : memref<32x128xf32, #tpu.memory_space<vmem>>) offsets(%dma_start3A_78 : memref<32xi32, #tpu.memory_space<vmem>>) semaphore(%arg11 : memref<!tpu.dma_semaphore, #tpu.memory_space<semaphore_mem>>)
    %dma_start3A_82 = arith.constant 0 : i32
    %dma_start3A_83 = arith.constant 0 : i32
    %dma_start3A_84 = arith.constant 0 : i32
    %dma_start3A_85 = arith.constant 0 : i32
    %dma_start3A_86 = tpu.memref_slice %arg8[%dma_start3A_83, %dma_start3A_84, %dma_start3A_85] : memref<4x64x128xf32, #tpu.memory_space<vmem>> -> memref<1x64x128xf32, #tpu.memory_space<vmem>>
    %dma_start3A_87 = tpu.memref_squeeze %dma_start3A_86 : memref<1x64x128xf32, #tpu.memory_space<vmem>> -> memref<64x128xf32, #tpu.memory_space<vmem>>
    %dma_start3A_88 = arith.constant 32 : i32
    %dma_start3A_89 = arith.constant 0 : i32
    %dma_start3A_90 = tpu.memref_slice %dma_start3A_87[%dma_start3A_88, %dma_start3A_89] : memref<64x128xf32, #tpu.memory_space<vmem>> -> memref<32x128xf32, #tpu.memory_space<vmem>>
    %dma_start3A_91 = arith.constant 32 : i32
    %dma_start3A_92 = tpu.memref_slice %arg7[%dma_start3A_82, %dma_start3A_91] : memref<4x64xi32, #tpu.memory_space<vmem>> -> memref<1x32xi32, #tpu.memory_space<vmem>>
    %dma_start3A_93 = tpu.memref_squeeze %dma_start3A_92 : memref<1x32xi32, #tpu.memory_space<vmem>> -> memref<32xi32, #tpu.memory_space<vmem>>
    %dma_start3A_94 = arith.constant 0 : i32
    %dma_start3A_95 = arith.constant 0 : i32
    %dma_start3A_96 = tpu.memref_slice %arg3[%dma_start3A_94, %dma_start3A_95] : memref<100000x128xf32, #tpu.memory_space<hbm>> -> memref<100000x128xf32, #tpu.memory_space<hbm>>
    tpu.enqueue_indirect_dma source(%dma_start3A_96 : memref<100000x128xf32, #tpu.memory_space<hbm>>) target(%dma_start3A_90 : memref<32x128xf32, #tpu.memory_space<vmem>>) offsets(%dma_start3A_93 : memref<32xi32, #tpu.memory_space<vmem>>) semaphore(%arg15 : memref<!tpu.dma_semaphore, #tpu.memory_space<semaphore_mem>>)
    %dma_wait3A_97 = arith.constant 1 : i32
    %dma_wait3A_98 = arith.constant 1 : i32
    %dma_wait3A_99 = arith.constant 0 : i32
    %dma_wait3A_100 = tpu.memref_slice %arg7[%dma_wait3A_98, %dma_wait3A_99] : memref<4x64xi32, #tpu.memory_space<vmem>> -> memref<1x64xi32, #tpu.memory_space<vmem>>
    %dma_wait3A_101 = tpu.memref_squeeze %dma_wait3A_100 : memref<1x64xi32, #tpu.memory_space<vmem>> -> memref<64xi32, #tpu.memory_space<vmem>>
    %dma_wait3A_102 = tpu.memref_slice %arg2[%dma_wait3A_97, %mul3A_2] : memref<4x2048xi32, #tpu.memory_space<hbm>> -> memref<1x64xi32, #tpu.memory_space<hbm>>
    %dma_wait3A_103 = tpu.memref_squeeze %dma_wait3A_102 : memref<1x64xi32, #tpu.memory_space<hbm>> -> memref<64xi32, #tpu.memory_space<hbm>>
    %dma_wait3A_104 = arith.constant 0 : i32
    %dma_wait3A_105 = tpu.memref_slice %arg7[%dma_wait3A_98, %dma_wait3A_104] : memref<4x64xi32, #tpu.memory_space<vmem>> -> memref<1x64xi32, #tpu.memory_space<vmem>>
    %dma_wait3A_106 = tpu.memref_squeeze %dma_wait3A_105 : memref<1x64xi32, #tpu.memory_space<vmem>> -> memref<64xi32, #tpu.memory_space<vmem>>
    %dma_wait3A_107 = tpu.memref_slice %arg2[%dma_wait3A_97, %mul3A_2] : memref<4x2048xi32, #tpu.memory_space<hbm>> -> memref<1x64xi32, #tpu.memory_space<hbm>>
    %dma_wait3A_108 = tpu.memref_squeeze %dma_wait3A_107 : memref<1x64xi32, #tpu.memory_space<hbm>> -> memref<64xi32, #tpu.memory_space<hbm>>
    tpu.wait_dma2 semaphore(%arg12 : memref<!tpu.dma_semaphore, #tpu.memory_space<semaphore_mem>>) src(%dma_wait3A_108 : memref<64xi32, #tpu.memory_space<hbm>>) dst(%dma_wait3A_106 : memref<64xi32, #tpu.memory_space<vmem>>)
    %dma_start3A_109 = arith.constant 1 : i32
    %dma_start3A_110 = arith.constant 1 : i32
    %dma_start3A_111 = arith.constant 0 : i32
    %dma_start3A_112 = arith.constant 0 : i32
    %dma_start3A_113 = tpu.memref_slice %arg8[%dma_start3A_110, %dma_start3A_111, %dma_start3A_112] : memref<4x64x128xf32, #tpu.memory_space<vmem>> -> memref<1x64x128xf32, #tpu.memory_space<vmem>>
    %dma_start3A_114 = tpu.memref_squeeze %dma_start3A_113 : memref<1x64x128xf32, #tpu.memory_space<vmem>> -> memref<64x128xf32, #tpu.memory_space<vmem>>
    %dma_start3A_115 = arith.constant 0 : i32
    %dma_start3A_116 = arith.constant 0 : i32
    %dma_start3A_117 = tpu.memref_slice %dma_start3A_114[%dma_start3A_115, %dma_start3A_116] : memref<64x128xf32, #tpu.memory_space<vmem>> -> memref<32x128xf32, #tpu.memory_space<vmem>>
    %dma_start3A_118 = arith.constant 0 : i32
    %dma_start3A_119 = tpu.memref_slice %arg7[%dma_start3A_109, %dma_start3A_118] : memref<4x64xi32, #tpu.memory_space<vmem>> -> memref<1x32xi32, #tpu.memory_space<vmem>>
    %dma_start3A_120 = tpu.memref_squeeze %dma_start3A_119 : memref<1x32xi32, #tpu.memory_space<vmem>> -> memref<32xi32, #tpu.memory_space<vmem>>
    %dma_start3A_121 = arith.constant 0 : i32
    %dma_start3A_122 = arith.constant 0 : i32
    %dma_start3A_123 = tpu.memref_slice %arg3[%dma_start3A_121, %dma_start3A_122] : memref<100000x128xf32, #tpu.memory_space<hbm>> -> memref<100000x128xf32, #tpu.memory_space<hbm>>
    tpu.enqueue_indirect_dma source(%dma_start3A_123 : memref<100000x128xf32, #tpu.memory_space<hbm>>) target(%dma_start3A_117 : memref<32x128xf32, #tpu.memory_space<vmem>>) offsets(%dma_start3A_120 : memref<32xi32, #tpu.memory_space<vmem>>) semaphore(%arg12 : memref<!tpu.dma_semaphore, #tpu.memory_space<semaphore_mem>>)
    %dma_start3A_124 = arith.constant 1 : i32
    %dma_start3A_125 = arith.constant 1 : i32
    %dma_start3A_126 = arith.constant 0 : i32
    %dma_start3A_127 = arith.constant 0 : i32
    %dma_start3A_128 = tpu.memref_slice %arg8[%dma_start3A_125, %dma_start3A_126, %dma_start3A_127] : memref<4x64x128xf32, #tpu.memory_space<vmem>> -> memref<1x64x128xf32, #tpu.memory_space<vmem>>
    %dma_start3A_129 = tpu.memref_squeeze %dma_start3A_128 : memref<1x64x128xf32, #tpu.memory_space<vmem>> -> memref<64x128xf32, #tpu.memory_space<vmem>>
    %dma_start3A_130 = arith.constant 32 : i32
    %dma_start3A_131 = arith.constant 0 : i32
    %dma_start3A_132 = tpu.memref_slice %dma_start3A_129[%dma_start3A_130, %dma_start3A_131] : memref<64x128xf32, #tpu.memory_space<vmem>> -> memref<32x128xf32, #tpu.memory_space<vmem>>
    %dma_start3A_133 = arith.constant 32 : i32
    %dma_start3A_134 = tpu.memref_slice %arg7[%dma_start3A_124, %dma_start3A_133] : memref<4x64xi32, #tpu.memory_space<vmem>> -> memref<1x32xi32, #tpu.memory_space<vmem>>
    %dma_start3A_135 = tpu.memref_squeeze %dma_start3A_134 : memref<1x32xi32, #tpu.memory_space<vmem>> -> memref<32xi32, #tpu.memory_space<vmem>>
    %dma_start3A_136 = arith.constant 0 : i32
    %dma_start3A_137 = arith.constant 0 : i32
    %dma_start3A_138 = tpu.memref_slice %arg3[%dma_start3A_136, %dma_start3A_137] : memref<100000x128xf32, #tpu.memory_space<hbm>> -> memref<100000x128xf32, #tpu.memory_space<hbm>>
    tpu.enqueue_indirect_dma source(%dma_start3A_138 : memref<100000x128xf32, #tpu.memory_space<hbm>>) target(%dma_start3A_132 : memref<32x128xf32, #tpu.memory_space<vmem>>) offsets(%dma_start3A_135 : memref<32xi32, #tpu.memory_space<vmem>>) semaphore(%arg16 : memref<!tpu.dma_semaphore, #tpu.memory_space<semaphore_mem>>)
    %dma_wait3A_139 = arith.constant 2 : i32
    %dma_wait3A_140 = arith.constant 2 : i32
    %dma_wait3A_141 = arith.constant 0 : i32
    %dma_wait3A_142 = tpu.memref_slice %arg7[%dma_wait3A_140, %dma_wait3A_141] : memref<4x64xi32, #tpu.memory_space<vmem>> -> memref<1x64xi32, #tpu.memory_space<vmem>>
    %dma_wait3A_143 = tpu.memref_squeeze %dma_wait3A_142 : memref<1x64xi32, #tpu.memory_space<vmem>> -> memref<64xi32, #tpu.memory_space<vmem>>
    %dma_wait3A_144 = tpu.memref_slice %arg2[%dma_wait3A_139, %mul3A_2] : memref<4x2048xi32, #tpu.memory_space<hbm>> -> memref<1x64xi32, #tpu.memory_space<hbm>>
    %dma_wait3A_145 = tpu.memref_squeeze %dma_wait3A_144 : memref<1x64xi32, #tpu.memory_space<hbm>> -> memref<64xi32, #tpu.memory_space<hbm>>
    %dma_wait3A_146 = arith.constant 0 : i32
    %dma_wait3A_147 = tpu.memref_slice %arg7[%dma_wait3A_140, %dma_wait3A_146] : memref<4x64xi32, #tpu.memory_space<vmem>> -> memref<1x64xi32, #tpu.memory_space<vmem>>
    %dma_wait3A_148 = tpu.memref_squeeze %dma_wait3A_147 : memref<1x64xi32, #tpu.memory_space<vmem>> -> memref<64xi32, #tpu.memory_space<vmem>>
    %dma_wait3A_149 = tpu.memref_slice %arg2[%dma_wait3A_139, %mul3A_2] : memref<4x2048xi32, #tpu.memory_space<hbm>> -> memref<1x64xi32, #tpu.memory_space<hbm>>
    %dma_wait3A_150 = tpu.memref_squeeze %dma_wait3A_149 : memref<1x64xi32, #tpu.memory_space<hbm>> -> memref<64xi32, #tpu.memory_space<hbm>>
    tpu.wait_dma2 semaphore(%arg13 : memref<!tpu.dma_semaphore, #tpu.memory_space<semaphore_mem>>) src(%dma_wait3A_150 : memref<64xi32, #tpu.memory_space<hbm>>) dst(%dma_wait3A_148 : memref<64xi32, #tpu.memory_space<vmem>>)
    %dma_start3A_151 = arith.constant 2 : i32
    %dma_start3A_152 = arith.constant 2 : i32
    %dma_start3A_153 = arith.constant 0 : i32
    %dma_start3A_154 = arith.constant 0 : i32
    %dma_start3A_155 = tpu.memref_slice %arg8[%dma_start3A_152, %dma_start3A_153, %dma_start3A_154] : memref<4x64x128xf32, #tpu.memory_space<vmem>> -> memref<1x64x128xf32, #tpu.memory_space<vmem>>
    %dma_start3A_156 = tpu.memref_squeeze %dma_start3A_155 : memref<1x64x128xf32, #tpu.memory_space<vmem>> -> memref<64x128xf32, #tpu.memory_space<vmem>>
    %dma_start3A_157 = arith.constant 0 : i32
    %dma_start3A_158 = arith.constant 0 : i32
    %dma_start3A_159 = tpu.memref_slice %dma_start3A_156[%dma_start3A_157, %dma_start3A_158] : memref<64x128xf32, #tpu.memory_space<vmem>> -> memref<32x128xf32, #tpu.memory_space<vmem>>
    %dma_start3A_160 = arith.constant 0 : i32
    %dma_start3A_161 = tpu.memref_slice %arg7[%dma_start3A_151, %dma_start3A_160] : memref<4x64xi32, #tpu.memory_space<vmem>> -> memref<1x32xi32, #tpu.memory_space<vmem>>
    %dma_start3A_162 = tpu.memref_squeeze %dma_start3A_161 : memref<1x32xi32, #tpu.memory_space<vmem>> -> memref<32xi32, #tpu.memory_space<vmem>>
    %dma_start3A_163 = arith.constant 0 : i32
    %dma_start3A_164 = arith.constant 0 : i32
    %dma_start3A_165 = tpu.memref_slice %arg3[%dma_start3A_163, %dma_start3A_164] : memref<100000x128xf32, #tpu.memory_space<hbm>> -> memref<100000x128xf32, #tpu.memory_space<hbm>>
    tpu.enqueue_indirect_dma source(%dma_start3A_165 : memref<100000x128xf32, #tpu.memory_space<hbm>>) target(%dma_start3A_159 : memref<32x128xf32, #tpu.memory_space<vmem>>) offsets(%dma_start3A_162 : memref<32xi32, #tpu.memory_space<vmem>>) semaphore(%arg13 : memref<!tpu.dma_semaphore, #tpu.memory_space<semaphore_mem>>)
    %dma_start3A_166 = arith.constant 2 : i32
    %dma_start3A_167 = arith.constant 2 : i32
    %dma_start3A_168 = arith.constant 0 : i32
    %dma_start3A_169 = arith.constant 0 : i32
    %dma_start3A_170 = tpu.memref_slice %arg8[%dma_start3A_167, %dma_start3A_168, %dma_start3A_169] : memref<4x64x128xf32, #tpu.memory_space<vmem>> -> memref<1x64x128xf32, #tpu.memory_space<vmem>>
    %dma_start3A_171 = tpu.memref_squeeze %dma_start3A_170 : memref<1x64x128xf32, #tpu.memory_space<vmem>> -> memref<64x128xf32, #tpu.memory_space<vmem>>
    %dma_start3A_172 = arith.constant 32 : i32
    %dma_start3A_173 = arith.constant 0 : i32
    %dma_start3A_174 = tpu.memref_slice %dma_start3A_171[%dma_start3A_172, %dma_start3A_173] : memref<64x128xf32, #tpu.memory_space<vmem>> -> memref<32x128xf32, #tpu.memory_space<vmem>>
    %dma_start3A_175 = arith.constant 32 : i32
    %dma_start3A_176 = tpu.memref_slice %arg7[%dma_start3A_166, %dma_start3A_175] : memref<4x64xi32, #tpu.memory_space<vmem>> -> memref<1x32xi32, #tpu.memory_space<vmem>>
    %dma_start3A_177 = tpu.memref_squeeze %dma_start3A_176 : memref<1x32xi32, #tpu.memory_space<vmem>> -> memref<32xi32, #tpu.memory_space<vmem>>
    %dma_start3A_178 = arith.constant 0 : i32
    %dma_start3A_179 = arith.constant 0 : i32
    %dma_start3A_180 = tpu.memref_slice %arg3[%dma_start3A_178, %dma_start3A_179] : memref<100000x128xf32, #tpu.memory_space<hbm>> -> memref<100000x128xf32, #tpu.memory_space<hbm>>
    tpu.enqueue_indirect_dma source(%dma_start3A_180 : memref<100000x128xf32, #tpu.memory_space<hbm>>) target(%dma_start3A_174 : memref<32x128xf32, #tpu.memory_space<vmem>>) offsets(%dma_start3A_177 : memref<32xi32, #tpu.memory_space<vmem>>) semaphore(%arg17 : memref<!tpu.dma_semaphore, #tpu.memory_space<semaphore_mem>>)
    %dma_wait3A_181 = arith.constant 3 : i32
    %dma_wait3A_182 = arith.constant 3 : i32
    %dma_wait3A_183 = arith.constant 0 : i32
    %dma_wait3A_184 = tpu.memref_slice %arg7[%dma_wait3A_182, %dma_wait3A_183] : memref<4x64xi32, #tpu.memory_space<vmem>> -> memref<1x64xi32, #tpu.memory_space<vmem>>
    %dma_wait3A_185 = tpu.memref_squeeze %dma_wait3A_184 : memref<1x64xi32, #tpu.memory_space<vmem>> -> memref<64xi32, #tpu.memory_space<vmem>>
    %dma_wait3A_186 = tpu.memref_slice %arg2[%dma_wait3A_181, %mul3A_2] : memref<4x2048xi32, #tpu.memory_space<hbm>> -> memref<1x64xi32, #tpu.memory_space<hbm>>
    %dma_wait3A_187 = tpu.memref_squeeze %dma_wait3A_186 : memref<1x64xi32, #tpu.memory_space<hbm>> -> memref<64xi32, #tpu.memory_space<hbm>>
    %dma_wait3A_188 = arith.constant 0 : i32
    %dma_wait3A_189 = tpu.memref_slice %arg7[%dma_wait3A_182, %dma_wait3A_188] : memref<4x64xi32, #tpu.memory_space<vmem>> -> memref<1x64xi32, #tpu.memory_space<vmem>>
    %dma_wait3A_190 = tpu.memref_squeeze %dma_wait3A_189 : memref<1x64xi32, #tpu.memory_space<vmem>> -> memref<64xi32, #tpu.memory_space<vmem>>
    %dma_wait3A_191 = tpu.memref_slice %arg2[%dma_wait3A_181, %mul3A_2] : memref<4x2048xi32, #tpu.memory_space<hbm>> -> memref<1x64xi32, #tpu.memory_space<hbm>>
    %dma_wait3A_192 = tpu.memref_squeeze %dma_wait3A_191 : memref<1x64xi32, #tpu.memory_space<hbm>> -> memref<64xi32, #tpu.memory_space<hbm>>
    tpu.wait_dma2 semaphore(%arg14 : memref<!tpu.dma_semaphore, #tpu.memory_space<semaphore_mem>>) src(%dma_wait3A_192 : memref<64xi32, #tpu.memory_space<hbm>>) dst(%dma_wait3A_190 : memref<64xi32, #tpu.memory_space<vmem>>)
    %dma_start3A_193 = arith.constant 3 : i32
    %dma_start3A_194 = arith.constant 3 : i32
    %dma_start3A_195 = arith.constant 0 : i32
    %dma_start3A_196 = arith.constant 0 : i32
    %dma_start3A_197 = tpu.memref_slice %arg8[%dma_start3A_194, %dma_start3A_195, %dma_start3A_196] : memref<4x64x128xf32, #tpu.memory_space<vmem>> -> memref<1x64x128xf32, #tpu.memory_space<vmem>>
    %dma_start3A_198 = tpu.memref_squeeze %dma_start3A_197 : memref<1x64x128xf32, #tpu.memory_space<vmem>> -> memref<64x128xf32, #tpu.memory_space<vmem>>
    %dma_start3A_199 = arith.constant 0 : i32
    %dma_start3A_200 = arith.constant 0 : i32
    %dma_start3A_201 = tpu.memref_slice %dma_start3A_198[%dma_start3A_199, %dma_start3A_200] : memref<64x128xf32, #tpu.memory_space<vmem>> -> memref<32x128xf32, #tpu.memory_space<vmem>>
    %dma_start3A_202 = arith.constant 0 : i32
    %dma_start3A_203 = tpu.memref_slice %arg7[%dma_start3A_193, %dma_start3A_202] : memref<4x64xi32, #tpu.memory_space<vmem>> -> memref<1x32xi32, #tpu.memory_space<vmem>>
    %dma_start3A_204 = tpu.memref_squeeze %dma_start3A_203 : memref<1x32xi32, #tpu.memory_space<vmem>> -> memref<32xi32, #tpu.memory_space<vmem>>
    %dma_start3A_205 = arith.constant 0 : i32
    %dma_start3A_206 = arith.constant 0 : i32
    %dma_start3A_207 = tpu.memref_slice %arg3[%dma_start3A_205, %dma_start3A_206] : memref<100000x128xf32, #tpu.memory_space<hbm>> -> memref<100000x128xf32, #tpu.memory_space<hbm>>
    tpu.enqueue_indirect_dma source(%dma_start3A_207 : memref<100000x128xf32, #tpu.memory_space<hbm>>) target(%dma_start3A_201 : memref<32x128xf32, #tpu.memory_space<vmem>>) offsets(%dma_start3A_204 : memref<32xi32, #tpu.memory_space<vmem>>) semaphore(%arg14 : memref<!tpu.dma_semaphore, #tpu.memory_space<semaphore_mem>>)
    %dma_start3A_208 = arith.constant 3 : i32
    %dma_start3A_209 = arith.constant 3 : i32
    %dma_start3A_210 = arith.constant 0 : i32
    %dma_start3A_211 = arith.constant 0 : i32
    %dma_start3A_212 = tpu.memref_slice %arg8[%dma_start3A_209, %dma_start3A_210, %dma_start3A_211] : memref<4x64x128xf32, #tpu.memory_space<vmem>> -> memref<1x64x128xf32, #tpu.memory_space<vmem>>
    %dma_start3A_213 = tpu.memref_squeeze %dma_start3A_212 : memref<1x64x128xf32, #tpu.memory_space<vmem>> -> memref<64x128xf32, #tpu.memory_space<vmem>>
    %dma_start3A_214 = arith.constant 32 : i32
    %dma_start3A_215 = arith.constant 0 : i32
    %dma_start3A_216 = tpu.memref_slice %dma_start3A_213[%dma_start3A_214, %dma_start3A_215] : memref<64x128xf32, #tpu.memory_space<vmem>> -> memref<32x128xf32, #tpu.memory_space<vmem>>
    %dma_start3A_217 = arith.constant 32 : i32
    %dma_start3A_218 = tpu.memref_slice %arg7[%dma_start3A_208, %dma_start3A_217] : memref<4x64xi32, #tpu.memory_space<vmem>> -> memref<1x32xi32, #tpu.memory_space<vmem>>
    %dma_start3A_219 = tpu.memref_squeeze %dma_start3A_218 : memref<1x32xi32, #tpu.memory_space<vmem>> -> memref<32xi32, #tpu.memory_space<vmem>>
    %dma_start3A_220 = arith.constant 0 : i32
    %dma_start3A_221 = arith.constant 0 : i32
    %dma_start3A_222 = tpu.memref_slice %arg3[%dma_start3A_220, %dma_start3A_221] : memref<100000x128xf32, #tpu.memory_space<hbm>> -> memref<100000x128xf32, #tpu.memory_space<hbm>>
    tpu.enqueue_indirect_dma source(%dma_start3A_222 : memref<100000x128xf32, #tpu.memory_space<hbm>>) target(%dma_start3A_216 : memref<32x128xf32, #tpu.memory_space<vmem>>) offsets(%dma_start3A_219 : memref<32xi32, #tpu.memory_space<vmem>>) semaphore(%arg18 : memref<!tpu.dma_semaphore, #tpu.memory_space<semaphore_mem>>)
    %dma_wait3A_223 = arith.constant 0 : i32
    %dma_wait3A_224 = tpu.memref_slice %arg4[%mul3A_2, %dma_wait3A_223] : memref<2048x128xf32, #tpu.memory_space<hbm>> -> memref<64x128xf32, #tpu.memory_space<hbm>>
    %dma_wait3A_225 = arith.constant 0 : i32
    %dma_wait3A_226 = tpu.memref_slice %arg4[%mul3A_2, %dma_wait3A_225] : memref<2048x128xf32, #tpu.memory_space<hbm>> -> memref<64x128xf32, #tpu.memory_space<hbm>>
    tpu.wait_dma2 semaphore(%arg19 : memref<!tpu.dma_semaphore, #tpu.memory_space<semaphore_mem>>) src(%dma_wait3A_226 : memref<64x128xf32, #tpu.memory_space<hbm>>) dst(%arg9 : memref<64x128xf32, #tpu.memory_space<vmem>>)
    %lt3A_227 = arith.constant 4 : i32
    %lt3A_228 = arith.cmpi slt, %add3A, %lt3A_227 : i32
    %convert_element_type3A_229 = arith.extui %lt3A_228 : i1 to i32
    %cond3A_230 = arith.constant 0 : i32
    %cond3A_231 = arith.cmpi ne, %convert_element_type3A_229, %cond3A_230 : i32
    scf.if %cond3A_231 {
      tpu.wait_dma2 semaphore(%arg20 : memref<!tpu.dma_semaphore, #tpu.memory_space<semaphore_mem>>) src(%arg5 : memref<8x128xf32, #tpu.memory_space<hbm>>) dst(%arg10 : memref<8x128xf32, #tpu.memory_space<vmem>>)
      %dma_start3A_600 = arith.constant 0 : i32
      %dma_start3A_601 = arith.constant 0 : i32
      %dma_start3A_602 = tpu.memref_slice %arg6[%add3A, %dma_start3A_600, %dma_start3A_601] : memref<4x2056x128xf32, #tpu.memory_space<hbm>> -> memref<1x8x128xf32, #tpu.memory_space<hbm>>
      %dma_start3A_603 = tpu.memref_squeeze %dma_start3A_602 : memref<1x8x128xf32, #tpu.memory_space<hbm>> -> memref<8x128xf32, #tpu.memory_space<hbm>>
      %dma_start3A_604 = arith.constant 0 : i32
      %dma_start3A_605 = arith.constant 0 : i32
      %dma_start3A_606 = tpu.memref_slice %arg6[%add3A, %dma_start3A_604, %dma_start3A_605] : memref<4x2056x128xf32, #tpu.memory_space<hbm>> -> memref<1x8x128xf32, #tpu.memory_space<hbm>>
      %dma_start3A_607 = tpu.memref_squeeze %dma_start3A_606 : memref<1x8x128xf32, #tpu.memory_space<hbm>> -> memref<8x128xf32, #tpu.memory_space<hbm>>
      tpu.enqueue_dma source(%arg10 : memref<8x128xf32, #tpu.memory_space<vmem>>) target(%dma_start3A_607 : memref<8x128xf32, #tpu.memory_space<hbm>>) target_semaphore(%arg21 : memref<!tpu.dma_semaphore, #tpu.memory_space<semaphore_mem>>)
    } else {
    }
    %dma_wait3A_232 = arith.constant 0 : i32
    %dma_wait3A_233 = arith.constant 0 : i32
    %dma_wait3A_234 = arith.constant 0 : i32
    %dma_wait3A_235 = arith.constant 0 : i32
    %dma_wait3A_236 = tpu.memref_slice %arg8[%dma_wait3A_233, %dma_wait3A_234, %dma_wait3A_235] : memref<4x64x128xf32, #tpu.memory_space<vmem>> -> memref<1x64x128xf32, #tpu.memory_space<vmem>>
    %dma_wait3A_237 = tpu.memref_squeeze %dma_wait3A_236 : memref<1x64x128xf32, #tpu.memory_space<vmem>> -> memref<64x128xf32, #tpu.memory_space<vmem>>
    %dma_wait3A_238 = arith.constant 0 : i32
    %dma_wait3A_239 = arith.constant 0 : i32
    %dma_wait3A_240 = tpu.memref_slice %dma_wait3A_237[%dma_wait3A_238, %dma_wait3A_239] : memref<64x128xf32, #tpu.memory_space<vmem>> -> memref<32x128xf32, #tpu.memory_space<vmem>>
    %dma_wait3A_241 = arith.constant 0 : i32
    %dma_wait3A_242 = tpu.memref_slice %arg7[%dma_wait3A_232, %dma_wait3A_241] : memref<4x64xi32, #tpu.memory_space<vmem>> -> memref<1x32xi32, #tpu.memory_space<vmem>>
    %dma_wait3A_243 = tpu.memref_squeeze %dma_wait3A_242 : memref<1x32xi32, #tpu.memory_space<vmem>> -> memref<32xi32, #tpu.memory_space<vmem>>
    %dma_wait3A_244 = arith.constant 0 : i32
    %dma_wait3A_245 = arith.constant 0 : i32
    %dma_wait3A_246 = tpu.memref_slice %arg3[%dma_wait3A_244, %dma_wait3A_245] : memref<100000x128xf32, #tpu.memory_space<hbm>> -> memref<100000x128xf32, #tpu.memory_space<hbm>>
    tpu.wait_indirect_dma semaphore(%arg11 : memref<!tpu.dma_semaphore, #tpu.memory_space<semaphore_mem>>) src(%dma_wait3A_246 : memref<100000x128xf32, #tpu.memory_space<hbm>>) dst(%dma_wait3A_240 : memref<32x128xf32, #tpu.memory_space<vmem>>)
    %scan3A = arith.constant 0 : i32
    %scan3A_247 = arith.constant 0 : i32
    %scan3A_248 = arith.constant 32 : i32
    %scan3A_249 = arith.addi %scan3A_247, %scan3A_248 : i32
    %scan3A_250 = arith.constant 1 : i32
    scf.for %scan3A_600 = %scan3A_247 to %scan3A_249 step %scan3A_250  : i32 {
      %get3A = arith.index_cast %scan3A_600 : i32 to index
      %get3A_601 = arith.constant 0 : index
      %get3A_602 = tpu.vector_load %arg9[%get3A, %get3A_601] {strides = array<i32>} : memref<64x128xf32, #tpu.memory_space<vmem>>, vector<1x16xf32>,
      %get3A_603 = vector.shape_cast %get3A_602 : vector<1x16xf32> to vector<16xf32>
      %swap3A = arith.constant 0 : i32
      %swap3A_604 = arith.constant 0 : i32
      %swap3A_605 = tpu.memref_slice %arg8[%scan3A, %swap3A, %swap3A_604] : memref<4x64x128xf32, #tpu.memory_space<vmem>> -> memref<1x64x128xf32, #tpu.memory_space<vmem>>
      %swap3A_606 = tpu.memref_squeeze %swap3A_605 : memref<1x64x128xf32, #tpu.memory_space<vmem>> -> memref<64x128xf32, #tpu.memory_space<vmem>>
      %swap3A_607 = arith.index_cast %scan3A_600 : i32 to index
      %swap3A_608 = arith.constant 0 : index
      %swap3A_609 = tpu.vector_load %swap3A_606[%swap3A_607, %swap3A_608] {strides = array<i32>} : memref<64x128xf32, #tpu.memory_space<vmem>>, vector<1x16xf32>,
      %swap3A_610 = vector.shape_cast %swap3A_609 : vector<1x16xf32> to vector<16xf32>
      %swap3A_611 = vector.shape_cast %get3A_603 : vector<16xf32> to vector<1x16xf32>
      tpu.vector_store %swap3A_606[%swap3A_607, %swap3A_608], %swap3A_611 {add = true, strides = array<i32>} : memref<64x128xf32, #tpu.memory_space<vmem>>, vector<1x16xf32>,
      %get3A_612 = arith.index_cast %scan3A_600 : i32 to index
      %get3A_613 = arith.constant 16 : index
      %get3A_614 = tpu.vector_load %arg9[%get3A_612, %get3A_613] {strides = array<i32>} : memref<64x128xf32, #tpu.memory_space<vmem>>, vector<1x16xf32>,
      %get3A_615 = vector.shape_cast %get3A_614 : vector<1x16xf32> to vector<16xf32>
      %swap3A_616 = arith.constant 0 : i32
      %swap3A_617 = arith.constant 0 : i32
      %swap3A_618 = tpu.memref_slice %arg8[%scan3A, %swap3A_616, %swap3A_617] : memref<4x64x128xf32, #tpu.memory_space<vmem>> -> memref<1x64x128xf32, #tpu.memory_space<vmem>>
      %swap3A_619 = tpu.memref_squeeze %swap3A_618 : memref<1x64x128xf32, #tpu.memory_space<vmem>> -> memref<64x128xf32, #tpu.memory_space<vmem>>
      %swap3A_620 = arith.index_cast %scan3A_600 : i32 to index
      %swap3A_621 = arith.constant 16 : index
      %swap3A_622 = tpu.vector_load %swap3A_619[%swap3A_620, %swap3A_621] {strides = array<i32>} : memref<64x128xf32, #tpu.memory_space<vmem>>, vector<1x16xf32>,
      %swap3A_623 = vector.shape_cast %swap3A_622 : vector<1x16xf32> to vector<16xf32>
      %swap3A_624 = vector.shape_cast %get3A_615 : vector<16xf32> to vector<1x16xf32>
      tpu.vector_store %swap3A_619[%swap3A_620, %swap3A_621], %swap3A_624 {add = true, strides = array<i32>} : memref<64x128xf32, #tpu.memory_space<vmem>>, vector<1x16xf32>,
      %get3A_625 = arith.index_cast %scan3A_600 : i32 to index
      %get3A_626 = arith.constant 32 : index
      %get3A_627 = tpu.vector_load %arg9[%get3A_625, %get3A_626] {strides = array<i32>} : memref<64x128xf32, #tpu.memory_space<vmem>>, vector<1x16xf32>,
      %get3A_628 = vector.shape_cast %get3A_627 : vector<1x16xf32> to vector<16xf32>
      %swap3A_629 = arith.constant 0 : i32
      %swap3A_630 = arith.constant 0 : i32
      %swap3A_631 = tpu.memref_slice %arg8[%scan3A, %swap3A_629, %swap3A_630] : memref<4x64x128xf32, #tpu.memory_space<vmem>> -> memref<1x64x128xf32, #tpu.memory_space<vmem>>
      %swap3A_632 = tpu.memref_squeeze %swap3A_631 : memref<1x64x128xf32, #tpu.memory_space<vmem>> -> memref<64x128xf32, #tpu.memory_space<vmem>>
      %swap3A_633 = arith.index_cast %scan3A_600 : i32 to index
      %swap3A_634 = arith.constant 32 : index
      %swap3A_635 = tpu.vector_load %swap3A_632[%swap3A_633, %swap3A_634] {strides = array<i32>} : memref<64x128xf32, #tpu.memory_space<vmem>>, vector<1x16xf32>,
      %swap3A_636 = vector.shape_cast %swap3A_635 : vector<1x16xf32> to vector<16xf32>
      %swap3A_637 = vector.shape_cast %get3A_628 : vector<16xf32> to vector<1x16xf32>
      tpu.vector_store %swap3A_632[%swap3A_633, %swap3A_634], %swap3A_637 {add = true, strides = array<i32>} : memref<64x128xf32, #tpu.memory_space<vmem>>, vector<1x16xf32>,
      %get3A_638 = arith.index_cast %scan3A_600 : i32 to index
      %get3A_639 = arith.constant 48 : index
      %get3A_640 = tpu.vector_load %arg9[%get3A_638, %get3A_639] {strides = array<i32>} : memref<64x128xf32, #tpu.memory_space<vmem>>, vector<1x16xf32>,
      %get3A_641 = vector.shape_cast %get3A_640 : vector<1x16xf32> to vector<16xf32>
      %swap3A_642 = arith.constant 0 : i32
      %swap3A_643 = arith.constant 0 : i32
      %swap3A_644 = tpu.memref_slice %arg8[%scan3A, %swap3A_642, %swap3A_643] : memref<4x64x128xf32, #tpu.memory_space<vmem>> -> memref<1x64x128xf32, #tpu.memory_space<vmem>>
      %swap3A_645 = tpu.memref_squeeze %swap3A_644 : memref<1x64x128xf32, #tpu.memory_space<vmem>> -> memref<64x128xf32, #tpu.memory_space<vmem>>
      %swap3A_646 = arith.index_cast %scan3A_600 : i32 to index
      %swap3A_647 = arith.constant 48 : index
      %swap3A_648 = tpu.vector_load %swap3A_645[%swap3A_646, %swap3A_647] {strides = array<i32>} : memref<64x128xf32, #tpu.memory_space<vmem>>, vector<1x16xf32>,
      %swap3A_649 = vector.shape_cast %swap3A_648 : vector<1x16xf32> to vector<16xf32>
      %swap3A_650 = vector.shape_cast %get3A_641 : vector<16xf32> to vector<1x16xf32>
      tpu.vector_store %swap3A_645[%swap3A_646, %swap3A_647], %swap3A_650 {add = true, strides = array<i32>} : memref<64x128xf32, #tpu.memory_space<vmem>>, vector<1x16xf32>,
      %get3A_651 = arith.index_cast %scan3A_600 : i32 to index
      %get3A_652 = arith.constant 64 : index
      %get3A_653 = tpu.vector_load %arg9[%get3A_651, %get3A_652] {strides = array<i32>} : memref<64x128xf32, #tpu.memory_space<vmem>>, vector<1x16xf32>,
      %get3A_654 = vector.shape_cast %get3A_653 : vector<1x16xf32> to vector<16xf32>
      %swap3A_655 = arith.constant 0 : i32
      %swap3A_656 = arith.constant 0 : i32
      %swap3A_657 = tpu.memref_slice %arg8[%scan3A, %swap3A_655, %swap3A_656] : memref<4x64x128xf32, #tpu.memory_space<vmem>> -> memref<1x64x128xf32, #tpu.memory_space<vmem>>
      %swap3A_658 = tpu.memref_squeeze %swap3A_657 : memref<1x64x128xf32, #tpu.memory_space<vmem>> -> memref<64x128xf32, #tpu.memory_space<vmem>>
      %swap3A_659 = arith.index_cast %scan3A_600 : i32 to index
      %swap3A_660 = arith.constant 64 : index
      %swap3A_661 = tpu.vector_load %swap3A_658[%swap3A_659, %swap3A_660] {strides = array<i32>} : memref<64x128xf32, #tpu.memory_space<vmem>>, vector<1x16xf32>,
      %swap3A_662 = vector.shape_cast %swap3A_661 : vector<1x16xf32> to vector<16xf32>
      %swap3A_663 = vector.shape_cast %get3A_654 : vector<16xf32> to vector<1x16xf32>
      tpu.vector_store %swap3A_658[%swap3A_659, %swap3A_660], %swap3A_663 {add = true, strides = array<i32>} : memref<64x128xf32, #tpu.memory_space<vmem>>, vector<1x16xf32>,
      %get3A_664 = arith.index_cast %scan3A_600 : i32 to index
      %get3A_665 = arith.constant 80 : index
      %get3A_666 = tpu.vector_load %arg9[%get3A_664, %get3A_665] {strides = array<i32>} : memref<64x128xf32, #tpu.memory_space<vmem>>, vector<1x16xf32>,
      %get3A_667 = vector.shape_cast %get3A_666 : vector<1x16xf32> to vector<16xf32>
      %swap3A_668 = arith.constant 0 : i32
      %swap3A_669 = arith.constant 0 : i32
      %swap3A_670 = tpu.memref_slice %arg8[%scan3A, %swap3A_668, %swap3A_669] : memref<4x64x128xf32, #tpu.memory_space<vmem>> -> memref<1x64x128xf32, #tpu.memory_space<vmem>>
      %swap3A_671 = tpu.memref_squeeze %swap3A_670 : memref<1x64x128xf32, #tpu.memory_space<vmem>> -> memref<64x128xf32, #tpu.memory_space<vmem>>
      %swap3A_672 = arith.index_cast %scan3A_600 : i32 to index
      %swap3A_673 = arith.constant 80 : index
      %swap3A_674 = tpu.vector_load %swap3A_671[%swap3A_672, %swap3A_673] {strides = array<i32>} : memref<64x128xf32, #tpu.memory_space<vmem>>, vector<1x16xf32>,
      %swap3A_675 = vector.shape_cast %swap3A_674 : vector<1x16xf32> to vector<16xf32>
      %swap3A_676 = vector.shape_cast %get3A_667 : vector<16xf32> to vector<1x16xf32>
      tpu.vector_store %swap3A_671[%swap3A_672, %swap3A_673], %swap3A_676 {add = true, strides = array<i32>} : memref<64x128xf32, #tpu.memory_space<vmem>>, vector<1x16xf32>,
      %get3A_677 = arith.index_cast %scan3A_600 : i32 to index
      %get3A_678 = arith.constant 96 : index
      %get3A_679 = tpu.vector_load %arg9[%get3A_677, %get3A_678] {strides = array<i32>} : memref<64x128xf32, #tpu.memory_space<vmem>>, vector<1x16xf32>,
      %get3A_680 = vector.shape_cast %get3A_679 : vector<1x16xf32> to vector<16xf32>
      %swap3A_681 = arith.constant 0 : i32
      %swap3A_682 = arith.constant 0 : i32
      %swap3A_683 = tpu.memref_slice %arg8[%scan3A, %swap3A_681, %swap3A_682] : memref<4x64x128xf32, #tpu.memory_space<vmem>> -> memref<1x64x128xf32, #tpu.memory_space<vmem>>
      %swap3A_684 = tpu.memref_squeeze %swap3A_683 : memref<1x64x128xf32, #tpu.memory_space<vmem>> -> memref<64x128xf32, #tpu.memory_space<vmem>>
      %swap3A_685 = arith.index_cast %scan3A_600 : i32 to index
      %swap3A_686 = arith.constant 96 : index
      %swap3A_687 = tpu.vector_load %swap3A_684[%swap3A_685, %swap3A_686] {strides = array<i32>} : memref<64x128xf32, #tpu.memory_space<vmem>>, vector<1x16xf32>,
      %swap3A_688 = vector.shape_cast %swap3A_687 : vector<1x16xf32> to vector<16xf32>
      %swap3A_689 = vector.shape_cast %get3A_680 : vector<16xf32> to vector<1x16xf32>
      tpu.vector_store %swap3A_684[%swap3A_685, %swap3A_686], %swap3A_689 {add = true, strides = array<i32>} : memref<64x128xf32, #tpu.memory_space<vmem>>, vector<1x16xf32>,
      %get3A_690 = arith.index_cast %scan3A_600 : i32 to index
      %get3A_691 = arith.constant 112 : index
      %get3A_692 = tpu.vector_load %arg9[%get3A_690, %get3A_691] {strides = array<i32>} : memref<64x128xf32, #tpu.memory_space<vmem>>, vector<1x16xf32>,
      %get3A_693 = vector.shape_cast %get3A_692 : vector<1x16xf32> to vector<16xf32>
      %swap3A_694 = arith.constant 0 : i32
      %swap3A_695 = arith.constant 0 : i32
      %swap3A_696 = tpu.memref_slice %arg8[%scan3A, %swap3A_694, %swap3A_695] : memref<4x64x128xf32, #tpu.memory_space<vmem>> -> memref<1x64x128xf32, #tpu.memory_space<vmem>>
      %swap3A_697 = tpu.memref_squeeze %swap3A_696 : memref<1x64x128xf32, #tpu.memory_space<vmem>> -> memref<64x128xf32, #tpu.memory_space<vmem>>
      %swap3A_698 = arith.index_cast %scan3A_600 : i32 to index
      %swap3A_699 = arith.constant 112 : index
      %swap3A_700 = tpu.vector_load %swap3A_697[%swap3A_698, %swap3A_699] {strides = array<i32>} : memref<64x128xf32, #tpu.memory_space<vmem>>, vector<1x16xf32>,
      %swap3A_701 = vector.shape_cast %swap3A_700 : vector<1x16xf32> to vector<16xf32>
      %swap3A_702 = vector.shape_cast %get3A_693 : vector<16xf32> to vector<1x16xf32>
      tpu.vector_store %swap3A_697[%swap3A_698, %swap3A_699], %swap3A_702 {add = true, strides = array<i32>} : memref<64x128xf32, #tpu.memory_space<vmem>>, vector<1x16xf32>,
    }
    %scan3A_251 = arith.constant 32 : i32
    %dma_wait3A_252 = arith.constant 0 : i32
    %dma_wait3A_253 = arith.constant 0 : i32
    %dma_wait3A_254 = arith.constant 0 : i32
    %dma_wait3A_255 = arith.constant 0 : i32
    %dma_wait3A_256 = tpu.memref_slice %arg8[%dma_wait3A_253, %dma_wait3A_254, %dma_wait3A_255] : memref<4x64x128xf32, #tpu.memory_space<vmem>> -> memref<1x64x128xf32, #tpu.memory_space<vmem>>
    %dma_wait3A_257 = tpu.memref_squeeze %dma_wait3A_256 : memref<1x64x128xf32, #tpu.memory_space<vmem>> -> memref<64x128xf32, #tpu.memory_space<vmem>>
    %dma_wait3A_258 = arith.constant 32 : i32
    %dma_wait3A_259 = arith.constant 0 : i32
    %dma_wait3A_260 = tpu.memref_slice %dma_wait3A_257[%dma_wait3A_258, %dma_wait3A_259] : memref<64x128xf32, #tpu.memory_space<vmem>> -> memref<32x128xf32, #tpu.memory_space<vmem>>
    %dma_wait3A_261 = arith.constant 32 : i32
    %dma_wait3A_262 = tpu.memref_slice %arg7[%dma_wait3A_252, %dma_wait3A_261] : memref<4x64xi32, #tpu.memory_space<vmem>> -> memref<1x32xi32, #tpu.memory_space<vmem>>
    %dma_wait3A_263 = tpu.memref_squeeze %dma_wait3A_262 : memref<1x32xi32, #tpu.memory_space<vmem>> -> memref<32xi32, #tpu.memory_space<vmem>>
    %dma_wait3A_264 = arith.constant 0 : i32
    %dma_wait3A_265 = arith.constant 0 : i32
    %dma_wait3A_266 = tpu.memref_slice %arg3[%dma_wait3A_264, %dma_wait3A_265] : memref<100000x128xf32, #tpu.memory_space<hbm>> -> memref<100000x128xf32, #tpu.memory_space<hbm>>
    tpu.wait_indirect_dma semaphore(%arg15 : memref<!tpu.dma_semaphore, #tpu.memory_space<semaphore_mem>>) src(%dma_wait3A_266 : memref<100000x128xf32, #tpu.memory_space<hbm>>) dst(%dma_wait3A_260 : memref<32x128xf32, #tpu.memory_space<vmem>>)
    %scan3A_267 = arith.constant 0 : i32
    %scan3A_268 = arith.constant 32 : i32
    %scan3A_269 = arith.constant 32 : i32
    %scan3A_270 = arith.addi %scan3A_268, %scan3A_269 : i32
    %scan3A_271 = arith.constant 1 : i32
    scf.for %scan3A_600 = %scan3A_268 to %scan3A_270 step %scan3A_271  : i32 {
      %get3A = arith.index_cast %scan3A_600 : i32 to index
      %get3A_601 = arith.constant 0 : index
      %get3A_602 = tpu.vector_load %arg9[%get3A, %get3A_601] {strides = array<i32>} : memref<64x128xf32, #tpu.memory_space<vmem>>, vector<1x16xf32>,
      %get3A_603 = vector.shape_cast %get3A_602 : vector<1x16xf32> to vector<16xf32>
      %swap3A = arith.constant 0 : i32
      %swap3A_604 = arith.constant 0 : i32
      %swap3A_605 = tpu.memref_slice %arg8[%scan3A_267, %swap3A, %swap3A_604] : memref<4x64x128xf32, #tpu.memory_space<vmem>> -> memref<1x64x128xf32, #tpu.memory_space<vmem>>
      %swap3A_606 = tpu.memref_squeeze %swap3A_605 : memref<1x64x128xf32, #tpu.memory_space<vmem>> -> memref<64x128xf32, #tpu.memory_space<vmem>>
      %swap3A_607 = arith.index_cast %scan3A_600 : i32 to index
      %swap3A_608 = arith.constant 0 : index
      %swap3A_609 = tpu.vector_load %swap3A_606[%swap3A_607, %swap3A_608] {strides = array<i32>} : memref<64x128xf32, #tpu.memory_space<vmem>>, vector<1x16xf32>,
      %swap3A_610 = vector.shape_cast %swap3A_609 : vector<1x16xf32> to vector<16xf32>
      %swap3A_611 = vector.shape_cast %get3A_603 : vector<16xf32> to vector<1x16xf32>
      tpu.vector_store %swap3A_606[%swap3A_607, %swap3A_608], %swap3A_611 {add = true, strides = array<i32>} : memref<64x128xf32, #tpu.memory_space<vmem>>, vector<1x16xf32>,
      %get3A_612 = arith.index_cast %scan3A_600 : i32 to index
      %get3A_613 = arith.constant 16 : index
      %get3A_614 = tpu.vector_load %arg9[%get3A_612, %get3A_613] {strides = array<i32>} : memref<64x128xf32, #tpu.memory_space<vmem>>, vector<1x16xf32>,
      %get3A_615 = vector.shape_cast %get3A_614 : vector<1x16xf32> to vector<16xf32>
      %swap3A_616 = arith.constant 0 : i32
      %swap3A_617 = arith.constant 0 : i32
      %swap3A_618 = tpu.memref_slice %arg8[%scan3A_267, %swap3A_616, %swap3A_617] : memref<4x64x128xf32, #tpu.memory_space<vmem>> -> memref<1x64x128xf32, #tpu.memory_space<vmem>>
      %swap3A_619 = tpu.memref_squeeze %swap3A_618 : memref<1x64x128xf32, #tpu.memory_space<vmem>> -> memref<64x128xf32, #tpu.memory_space<vmem>>
      %swap3A_620 = arith.index_cast %scan3A_600 : i32 to index
      %swap3A_621 = arith.constant 16 : index
      %swap3A_622 = tpu.vector_load %swap3A_619[%swap3A_620, %swap3A_621] {strides = array<i32>} : memref<64x128xf32, #tpu.memory_space<vmem>>, vector<1x16xf32>,
      %swap3A_623 = vector.shape_cast %swap3A_622 : vector<1x16xf32> to vector<16xf32>
      %swap3A_624 = vector.shape_cast %get3A_615 : vector<16xf32> to vector<1x16xf32>
      tpu.vector_store %swap3A_619[%swap3A_620, %swap3A_621], %swap3A_624 {add = true, strides = array<i32>} : memref<64x128xf32, #tpu.memory_space<vmem>>, vector<1x16xf32>,
      %get3A_625 = arith.index_cast %scan3A_600 : i32 to index
      %get3A_626 = arith.constant 32 : index
      %get3A_627 = tpu.vector_load %arg9[%get3A_625, %get3A_626] {strides = array<i32>} : memref<64x128xf32, #tpu.memory_space<vmem>>, vector<1x16xf32>,
      %get3A_628 = vector.shape_cast %get3A_627 : vector<1x16xf32> to vector<16xf32>
      %swap3A_629 = arith.constant 0 : i32
      %swap3A_630 = arith.constant 0 : i32
      %swap3A_631 = tpu.memref_slice %arg8[%scan3A_267, %swap3A_629, %swap3A_630] : memref<4x64x128xf32, #tpu.memory_space<vmem>> -> memref<1x64x128xf32, #tpu.memory_space<vmem>>
      %swap3A_632 = tpu.memref_squeeze %swap3A_631 : memref<1x64x128xf32, #tpu.memory_space<vmem>> -> memref<64x128xf32, #tpu.memory_space<vmem>>
      %swap3A_633 = arith.index_cast %scan3A_600 : i32 to index
      %swap3A_634 = arith.constant 32 : index
      %swap3A_635 = tpu.vector_load %swap3A_632[%swap3A_633, %swap3A_634] {strides = array<i32>} : memref<64x128xf32, #tpu.memory_space<vmem>>, vector<1x16xf32>,
      %swap3A_636 = vector.shape_cast %swap3A_635 : vector<1x16xf32> to vector<16xf32>
      %swap3A_637 = vector.shape_cast %get3A_628 : vector<16xf32> to vector<1x16xf32>
      tpu.vector_store %swap3A_632[%swap3A_633, %swap3A_634], %swap3A_637 {add = true, strides = array<i32>} : memref<64x128xf32, #tpu.memory_space<vmem>>, vector<1x16xf32>,
      %get3A_638 = arith.index_cast %scan3A_600 : i32 to index
      %get3A_639 = arith.constant 48 : index
      %get3A_640 = tpu.vector_load %arg9[%get3A_638, %get3A_639] {strides = array<i32>} : memref<64x128xf32, #tpu.memory_space<vmem>>, vector<1x16xf32>,
      %get3A_641 = vector.shape_cast %get3A_640 : vector<1x16xf32> to vector<16xf32>
      %swap3A_642 = arith.constant 0 : i32
      %swap3A_643 = arith.constant 0 : i32
      %swap3A_644 = tpu.memref_slice %arg8[%scan3A_267, %swap3A_642, %swap3A_643] : memref<4x64x128xf32, #tpu.memory_space<vmem>> -> memref<1x64x128xf32, #tpu.memory_space<vmem>>
      %swap3A_645 = tpu.memref_squeeze %swap3A_644 : memref<1x64x128xf32, #tpu.memory_space<vmem>> -> memref<64x128xf32, #tpu.memory_space<vmem>>
      %swap3A_646 = arith.index_cast %scan3A_600 : i32 to index
      %swap3A_647 = arith.constant 48 : index
      %swap3A_648 = tpu.vector_load %swap3A_645[%swap3A_646, %swap3A_647] {strides = array<i32>} : memref<64x128xf32, #tpu.memory_space<vmem>>, vector<1x16xf32>,
      %swap3A_649 = vector.shape_cast %swap3A_648 : vector<1x16xf32> to vector<16xf32>
      %swap3A_650 = vector.shape_cast %get3A_641 : vector<16xf32> to vector<1x16xf32>
      tpu.vector_store %swap3A_645[%swap3A_646, %swap3A_647], %swap3A_650 {add = true, strides = array<i32>} : memref<64x128xf32, #tpu.memory_space<vmem>>, vector<1x16xf32>,
      %get3A_651 = arith.index_cast %scan3A_600 : i32 to index
      %get3A_652 = arith.constant 64 : index
      %get3A_653 = tpu.vector_load %arg9[%get3A_651, %get3A_652] {strides = array<i32>} : memref<64x128xf32, #tpu.memory_space<vmem>>, vector<1x16xf32>,
      %get3A_654 = vector.shape_cast %get3A_653 : vector<1x16xf32> to vector<16xf32>
      %swap3A_655 = arith.constant 0 : i32
      %swap3A_656 = arith.constant 0 : i32
      %swap3A_657 = tpu.memref_slice %arg8[%scan3A_267, %swap3A_655, %swap3A_656] : memref<4x64x128xf32, #tpu.memory_space<vmem>> -> memref<1x64x128xf32, #tpu.memory_space<vmem>>
      %swap3A_658 = tpu.memref_squeeze %swap3A_657 : memref<1x64x128xf32, #tpu.memory_space<vmem>> -> memref<64x128xf32, #tpu.memory_space<vmem>>
      %swap3A_659 = arith.index_cast %scan3A_600 : i32 to index
      %swap3A_660 = arith.constant 64 : index
      %swap3A_661 = tpu.vector_load %swap3A_658[%swap3A_659, %swap3A_660] {strides = array<i32>} : memref<64x128xf32, #tpu.memory_space<vmem>>, vector<1x16xf32>,
      %swap3A_662 = vector.shape_cast %swap3A_661 : vector<1x16xf32> to vector<16xf32>
      %swap3A_663 = vector.shape_cast %get3A_654 : vector<16xf32> to vector<1x16xf32>
      tpu.vector_store %swap3A_658[%swap3A_659, %swap3A_660], %swap3A_663 {add = true, strides = array<i32>} : memref<64x128xf32, #tpu.memory_space<vmem>>, vector<1x16xf32>,
      %get3A_664 = arith.index_cast %scan3A_600 : i32 to index
      %get3A_665 = arith.constant 80 : index
      %get3A_666 = tpu.vector_load %arg9[%get3A_664, %get3A_665] {strides = array<i32>} : memref<64x128xf32, #tpu.memory_space<vmem>>, vector<1x16xf32>,
      %get3A_667 = vector.shape_cast %get3A_666 : vector<1x16xf32> to vector<16xf32>
      %swap3A_668 = arith.constant 0 : i32
      %swap3A_669 = arith.constant 0 : i32
      %swap3A_670 = tpu.memref_slice %arg8[%scan3A_267, %swap3A_668, %swap3A_669] : memref<4x64x128xf32, #tpu.memory_space<vmem>> -> memref<1x64x128xf32, #tpu.memory_space<vmem>>
      %swap3A_671 = tpu.memref_squeeze %swap3A_670 : memref<1x64x128xf32, #tpu.memory_space<vmem>> -> memref<64x128xf32, #tpu.memory_space<vmem>>
      %swap3A_672 = arith.index_cast %scan3A_600 : i32 to index
      %swap3A_673 = arith.constant 80 : index
      %swap3A_674 = tpu.vector_load %swap3A_671[%swap3A_672, %swap3A_673] {strides = array<i32>} : memref<64x128xf32, #tpu.memory_space<vmem>>, vector<1x16xf32>,
      %swap3A_675 = vector.shape_cast %swap3A_674 : vector<1x16xf32> to vector<16xf32>
      %swap3A_676 = vector.shape_cast %get3A_667 : vector<16xf32> to vector<1x16xf32>
      tpu.vector_store %swap3A_671[%swap3A_672, %swap3A_673], %swap3A_676 {add = true, strides = array<i32>} : memref<64x128xf32, #tpu.memory_space<vmem>>, vector<1x16xf32>,
      %get3A_677 = arith.index_cast %scan3A_600 : i32 to index
      %get3A_678 = arith.constant 96 : index
      %get3A_679 = tpu.vector_load %arg9[%get3A_677, %get3A_678] {strides = array<i32>} : memref<64x128xf32, #tpu.memory_space<vmem>>, vector<1x16xf32>,
      %get3A_680 = vector.shape_cast %get3A_679 : vector<1x16xf32> to vector<16xf32>
      %swap3A_681 = arith.constant 0 : i32
      %swap3A_682 = arith.constant 0 : i32
      %swap3A_683 = tpu.memref_slice %arg8[%scan3A_267, %swap3A_681, %swap3A_682] : memref<4x64x128xf32, #tpu.memory_space<vmem>> -> memref<1x64x128xf32, #tpu.memory_space<vmem>>
      %swap3A_684 = tpu.memref_squeeze %swap3A_683 : memref<1x64x128xf32, #tpu.memory_space<vmem>> -> memref<64x128xf32, #tpu.memory_space<vmem>>
      %swap3A_685 = arith.index_cast %scan3A_600 : i32 to index
      %swap3A_686 = arith.constant 96 : index
      %swap3A_687 = tpu.vector_load %swap3A_684[%swap3A_685, %swap3A_686] {strides = array<i32>} : memref<64x128xf32, #tpu.memory_space<vmem>>, vector<1x16xf32>,
      %swap3A_688 = vector.shape_cast %swap3A_687 : vector<1x16xf32> to vector<16xf32>
      %swap3A_689 = vector.shape_cast %get3A_680 : vector<16xf32> to vector<1x16xf32>
      tpu.vector_store %swap3A_684[%swap3A_685, %swap3A_686], %swap3A_689 {add = true, strides = array<i32>} : memref<64x128xf32, #tpu.memory_space<vmem>>, vector<1x16xf32>,
      %get3A_690 = arith.index_cast %scan3A_600 : i32 to index
      %get3A_691 = arith.constant 112 : index
      %get3A_692 = tpu.vector_load %arg9[%get3A_690, %get3A_691] {strides = array<i32>} : memref<64x128xf32, #tpu.memory_space<vmem>>, vector<1x16xf32>,
      %get3A_693 = vector.shape_cast %get3A_692 : vector<1x16xf32> to vector<16xf32>
      %swap3A_694 = arith.constant 0 : i32
      %swap3A_695 = arith.constant 0 : i32
      %swap3A_696 = tpu.memref_slice %arg8[%scan3A_267, %swap3A_694, %swap3A_695] : memref<4x64x128xf32, #tpu.memory_space<vmem>> -> memref<1x64x128xf32, #tpu.memory_space<vmem>>
      %swap3A_697 = tpu.memref_squeeze %swap3A_696 : memref<1x64x128xf32, #tpu.memory_space<vmem>> -> memref<64x128xf32, #tpu.memory_space<vmem>>
      %swap3A_698 = arith.index_cast %scan3A_600 : i32 to index
      %swap3A_699 = arith.constant 112 : index
      %swap3A_700 = tpu.vector_load %swap3A_697[%swap3A_698, %swap3A_699] {strides = array<i32>} : memref<64x128xf32, #tpu.memory_space<vmem>>, vector<1x16xf32>,
      %swap3A_701 = vector.shape_cast %swap3A_700 : vector<1x16xf32> to vector<16xf32>
      %swap3A_702 = vector.shape_cast %get3A_693 : vector<16xf32> to vector<1x16xf32>
      tpu.vector_store %swap3A_697[%swap3A_698, %swap3A_699], %swap3A_702 {add = true, strides = array<i32>} : memref<64x128xf32, #tpu.memory_space<vmem>>, vector<1x16xf32>,
    }
    %scan3A_272 = arith.constant 32 : i32
    %add3A_273 = arith.constant 8 : i32
    %add3A_274 = arith.addi %add3A_273, %mul3A_2 : i32
    %dma_start3A_275 = arith.constant 0 : i32
    %dma_start3A_276 = arith.constant 0 : i32
    %dma_start3A_277 = arith.constant 0 : i32
    %dma_start3A_278 = arith.constant 0 : i32
    %dma_start3A_279 = tpu.memref_slice %arg8[%dma_start3A_275, %dma_start3A_277, %dma_start3A_278] : memref<4x64x128xf32, #tpu.memory_space<vmem>> -> memref<1x64x128xf32, #tpu.memory_space<vmem>>
    %dma_start3A_280 = tpu.memref_squeeze %dma_start3A_279 : memref<1x64x128xf32, #tpu.memory_space<vmem>> -> memref<64x128xf32, #tpu.memory_space<vmem>>
    %dma_start3A_281 = arith.constant 0 : i32
    %dma_start3A_282 = tpu.memref_slice %arg6[%dma_start3A_276, %add3A_274, %dma_start3A_281] : memref<4x2056x128xf32, #tpu.memory_space<hbm>> -> memref<1x64x128xf32, #tpu.memory_space<hbm>>
    %dma_start3A_283 = tpu.memref_squeeze %dma_start3A_282 : memref<1x64x128xf32, #tpu.memory_space<hbm>> -> memref<64x128xf32, #tpu.memory_space<hbm>>
    %dma_start3A_284 = arith.constant 0 : i32
    %dma_start3A_285 = tpu.memref_slice %arg6[%dma_start3A_276, %add3A_274, %dma_start3A_284] : memref<4x2056x128xf32, #tpu.memory_space<hbm>> -> memref<1x64x128xf32, #tpu.memory_space<hbm>>
    %dma_start3A_286 = tpu.memref_squeeze %dma_start3A_285 : memref<1x64x128xf32, #tpu.memory_space<hbm>> -> memref<64x128xf32, #tpu.memory_space<hbm>>
    %dma_start3A_287 = arith.constant 0 : i32
    %dma_start3A_288 = arith.constant 0 : i32
    %dma_start3A_289 = tpu.memref_slice %arg8[%dma_start3A_275, %dma_start3A_287, %dma_start3A_288] : memref<4x64x128xf32, #tpu.memory_space<vmem>> -> memref<1x64x128xf32, #tpu.memory_space<vmem>>
    %dma_start3A_290 = tpu.memref_squeeze %dma_start3A_289 : memref<1x64x128xf32, #tpu.memory_space<vmem>> -> memref<64x128xf32, #tpu.memory_space<vmem>>
    tpu.enqueue_dma source(%dma_start3A_290 : memref<64x128xf32, #tpu.memory_space<vmem>>) target(%dma_start3A_286 : memref<64x128xf32, #tpu.memory_space<hbm>>) target_semaphore(%arg21 : memref<!tpu.dma_semaphore, #tpu.memory_space<semaphore_mem>>)
    %dma_wait3A_291 = arith.constant 1 : i32
    %dma_wait3A_292 = arith.constant 1 : i32
    %dma_wait3A_293 = arith.constant 0 : i32
    %dma_wait3A_294 = arith.constant 0 : i32
    %dma_wait3A_295 = tpu.memref_slice %arg8[%dma_wait3A_292, %dma_wait3A_293, %dma_wait3A_294] : memref<4x64x128xf32, #tpu.memory_space<vmem>> -> memref<1x64x128xf32, #tpu.memory_space<vmem>>
    %dma_wait3A_296 = tpu.memref_squeeze %dma_wait3A_295 : memref<1x64x128xf32, #tpu.memory_space<vmem>> -> memref<64x128xf32, #tpu.memory_space<vmem>>
    %dma_wait3A_297 = arith.constant 0 : i32
    %dma_wait3A_298 = arith.constant 0 : i32
    %dma_wait3A_299 = tpu.memref_slice %dma_wait3A_296[%dma_wait3A_297, %dma_wait3A_298] : memref<64x128xf32, #tpu.memory_space<vmem>> -> memref<32x128xf32, #tpu.memory_space<vmem>>
    %dma_wait3A_300 = arith.constant 0 : i32
    %dma_wait3A_301 = tpu.memref_slice %arg7[%dma_wait3A_291, %dma_wait3A_300] : memref<4x64xi32, #tpu.memory_space<vmem>> -> memref<1x32xi32, #tpu.memory_space<vmem>>
    %dma_wait3A_302 = tpu.memref_squeeze %dma_wait3A_301 : memref<1x32xi32, #tpu.memory_space<vmem>> -> memref<32xi32, #tpu.memory_space<vmem>>
    %dma_wait3A_303 = arith.constant 0 : i32
    %dma_wait3A_304 = arith.constant 0 : i32
    %dma_wait3A_305 = tpu.memref_slice %arg3[%dma_wait3A_303, %dma_wait3A_304] : memref<100000x128xf32, #tpu.memory_space<hbm>> -> memref<100000x128xf32, #tpu.memory_space<hbm>>
    tpu.wait_indirect_dma semaphore(%arg12 : memref<!tpu.dma_semaphore, #tpu.memory_space<semaphore_mem>>) src(%dma_wait3A_305 : memref<100000x128xf32, #tpu.memory_space<hbm>>) dst(%dma_wait3A_299 : memref<32x128xf32, #tpu.memory_space<vmem>>)
    %scan3A_306 = arith.constant 1 : i32
    %scan3A_307 = arith.constant 0 : i32
    %scan3A_308 = arith.constant 32 : i32
    %scan3A_309 = arith.addi %scan3A_307, %scan3A_308 : i32
    %scan3A_310 = arith.constant 1 : i32
    scf.for %scan3A_600 = %scan3A_307 to %scan3A_309 step %scan3A_310  : i32 {
      %get3A = arith.index_cast %scan3A_600 : i32 to index
      %get3A_601 = arith.constant 0 : index
      %get3A_602 = tpu.vector_load %arg9[%get3A, %get3A_601] {strides = array<i32>} : memref<64x128xf32, #tpu.memory_space<vmem>>, vector<1x16xf32>,
      %get3A_603 = vector.shape_cast %get3A_602 : vector<1x16xf32> to vector<16xf32>
      %swap3A = arith.constant 0 : i32
      %swap3A_604 = arith.constant 0 : i32
      %swap3A_605 = tpu.memref_slice %arg8[%scan3A_306, %swap3A, %swap3A_604] : memref<4x64x128xf32, #tpu.memory_space<vmem>> -> memref<1x64x128xf32, #tpu.memory_space<vmem>>
      %swap3A_606 = tpu.memref_squeeze %swap3A_605 : memref<1x64x128xf32, #tpu.memory_space<vmem>> -> memref<64x128xf32, #tpu.memory_space<vmem>>
      %swap3A_607 = arith.index_cast %scan3A_600 : i32 to index
      %swap3A_608 = arith.constant 0 : index
      %swap3A_609 = tpu.vector_load %swap3A_606[%swap3A_607, %swap3A_608] {strides = array<i32>} : memref<64x128xf32, #tpu.memory_space<vmem>>, vector<1x16xf32>,
      %swap3A_610 = vector.shape_cast %swap3A_609 : vector<1x16xf32> to vector<16xf32>
      %swap3A_611 = vector.shape_cast %get3A_603 : vector<16xf32> to vector<1x16xf32>
      tpu.vector_store %swap3A_606[%swap3A_607, %swap3A_608], %swap3A_611 {add = true, strides = array<i32>} : memref<64x128xf32, #tpu.memory_space<vmem>>, vector<1x16xf32>,
      %get3A_612 = arith.index_cast %scan3A_600 : i32 to index
      %get3A_613 = arith.constant 16 : index
      %get3A_614 = tpu.vector_load %arg9[%get3A_612, %get3A_613] {strides = array<i32>} : memref<64x128xf32, #tpu.memory_space<vmem>>, vector<1x16xf32>,
      %get3A_615 = vector.shape_cast %get3A_614 : vector<1x16xf32> to vector<16xf32>
      %swap3A_616 = arith.constant 0 : i32
      %swap3A_617 = arith.constant 0 : i32
      %swap3A_618 = tpu.memref_slice %arg8[%scan3A_306, %swap3A_616, %swap3A_617] : memref<4x64x128xf32, #tpu.memory_space<vmem>> -> memref<1x64x128xf32, #tpu.memory_space<vmem>>
      %swap3A_619 = tpu.memref_squeeze %swap3A_618 : memref<1x64x128xf32, #tpu.memory_space<vmem>> -> memref<64x128xf32, #tpu.memory_space<vmem>>
      %swap3A_620 = arith.index_cast %scan3A_600 : i32 to index
      %swap3A_621 = arith.constant 16 : index
      %swap3A_622 = tpu.vector_load %swap3A_619[%swap3A_620, %swap3A_621] {strides = array<i32>} : memref<64x128xf32, #tpu.memory_space<vmem>>, vector<1x16xf32>,
      %swap3A_623 = vector.shape_cast %swap3A_622 : vector<1x16xf32> to vector<16xf32>
      %swap3A_624 = vector.shape_cast %get3A_615 : vector<16xf32> to vector<1x16xf32>
      tpu.vector_store %swap3A_619[%swap3A_620, %swap3A_621], %swap3A_624 {add = true, strides = array<i32>} : memref<64x128xf32, #tpu.memory_space<vmem>>, vector<1x16xf32>,
      %get3A_625 = arith.index_cast %scan3A_600 : i32 to index
      %get3A_626 = arith.constant 32 : index
      %get3A_627 = tpu.vector_load %arg9[%get3A_625, %get3A_626] {strides = array<i32>} : memref<64x128xf32, #tpu.memory_space<vmem>>, vector<1x16xf32>,
      %get3A_628 = vector.shape_cast %get3A_627 : vector<1x16xf32> to vector<16xf32>
      %swap3A_629 = arith.constant 0 : i32
      %swap3A_630 = arith.constant 0 : i32
      %swap3A_631 = tpu.memref_slice %arg8[%scan3A_306, %swap3A_629, %swap3A_630] : memref<4x64x128xf32, #tpu.memory_space<vmem>> -> memref<1x64x128xf32, #tpu.memory_space<vmem>>
      %swap3A_632 = tpu.memref_squeeze %swap3A_631 : memref<1x64x128xf32, #tpu.memory_space<vmem>> -> memref<64x128xf32, #tpu.memory_space<vmem>>
      %swap3A_633 = arith.index_cast %scan3A_600 : i32 to index
      %swap3A_634 = arith.constant 32 : index
      %swap3A_635 = tpu.vector_load %swap3A_632[%swap3A_633, %swap3A_634] {strides = array<i32>} : memref<64x128xf32, #tpu.memory_space<vmem>>, vector<1x16xf32>,
      %swap3A_636 = vector.shape_cast %swap3A_635 : vector<1x16xf32> to vector<16xf32>
      %swap3A_637 = vector.shape_cast %get3A_628 : vector<16xf32> to vector<1x16xf32>
      tpu.vector_store %swap3A_632[%swap3A_633, %swap3A_634], %swap3A_637 {add = true, strides = array<i32>} : memref<64x128xf32, #tpu.memory_space<vmem>>, vector<1x16xf32>,
      %get3A_638 = arith.index_cast %scan3A_600 : i32 to index
      %get3A_639 = arith.constant 48 : index
      %get3A_640 = tpu.vector_load %arg9[%get3A_638, %get3A_639] {strides = array<i32>} : memref<64x128xf32, #tpu.memory_space<vmem>>, vector<1x16xf32>,
      %get3A_641 = vector.shape_cast %get3A_640 : vector<1x16xf32> to vector<16xf32>
      %swap3A_642 = arith.constant 0 : i32
      %swap3A_643 = arith.constant 0 : i32
      %swap3A_644 = tpu.memref_slice %arg8[%scan3A_306, %swap3A_642, %swap3A_643] : memref<4x64x128xf32, #tpu.memory_space<vmem>> -> memref<1x64x128xf32, #tpu.memory_space<vmem>>
      %swap3A_645 = tpu.memref_squeeze %swap3A_644 : memref<1x64x128xf32, #tpu.memory_space<vmem>> -> memref<64x128xf32, #tpu.memory_space<vmem>>
      %swap3A_646 = arith.index_cast %scan3A_600 : i32 to index
      %swap3A_647 = arith.constant 48 : index
      %swap3A_648 = tpu.vector_load %swap3A_645[%swap3A_646, %swap3A_647] {strides = array<i32>} : memref<64x128xf32, #tpu.memory_space<vmem>>, vector<1x16xf32>,
      %swap3A_649 = vector.shape_cast %swap3A_648 : vector<1x16xf32> to vector<16xf32>
      %swap3A_650 = vector.shape_cast %get3A_641 : vector<16xf32> to vector<1x16xf32>
      tpu.vector_store %swap3A_645[%swap3A_646, %swap3A_647], %swap3A_650 {add = true, strides = array<i32>} : memref<64x128xf32, #tpu.memory_space<vmem>>, vector<1x16xf32>,
      %get3A_651 = arith.index_cast %scan3A_600 : i32 to index
      %get3A_652 = arith.constant 64 : index
      %get3A_653 = tpu.vector_load %arg9[%get3A_651, %get3A_652] {strides = array<i32>} : memref<64x128xf32, #tpu.memory_space<vmem>>, vector<1x16xf32>,
      %get3A_654 = vector.shape_cast %get3A_653 : vector<1x16xf32> to vector<16xf32>
      %swap3A_655 = arith.constant 0 : i32
      %swap3A_656 = arith.constant 0 : i32
      %swap3A_657 = tpu.memref_slice %arg8[%scan3A_306, %swap3A_655, %swap3A_656] : memref<4x64x128xf32, #tpu.memory_space<vmem>> -> memref<1x64x128xf32, #tpu.memory_space<vmem>>
      %swap3A_658 = tpu.memref_squeeze %swap3A_657 : memref<1x64x128xf32, #tpu.memory_space<vmem>> -> memref<64x128xf32, #tpu.memory_space<vmem>>
      %swap3A_659 = arith.index_cast %scan3A_600 : i32 to index
      %swap3A_660 = arith.constant 64 : index
      %swap3A_661 = tpu.vector_load %swap3A_658[%swap3A_659, %swap3A_660] {strides = array<i32>} : memref<64x128xf32, #tpu.memory_space<vmem>>, vector<1x16xf32>,
      %swap3A_662 = vector.shape_cast %swap3A_661 : vector<1x16xf32> to vector<16xf32>
      %swap3A_663 = vector.shape_cast %get3A_654 : vector<16xf32> to vector<1x16xf32>
      tpu.vector_store %swap3A_658[%swap3A_659, %swap3A_660], %swap3A_663 {add = true, strides = array<i32>} : memref<64x128xf32, #tpu.memory_space<vmem>>, vector<1x16xf32>,
      %get3A_664 = arith.index_cast %scan3A_600 : i32 to index
      %get3A_665 = arith.constant 80 : index
      %get3A_666 = tpu.vector_load %arg9[%get3A_664, %get3A_665] {strides = array<i32>} : memref<64x128xf32, #tpu.memory_space<vmem>>, vector<1x16xf32>,
      %get3A_667 = vector.shape_cast %get3A_666 : vector<1x16xf32> to vector<16xf32>
      %swap3A_668 = arith.constant 0 : i32
      %swap3A_669 = arith.constant 0 : i32
      %swap3A_670 = tpu.memref_slice %arg8[%scan3A_306, %swap3A_668, %swap3A_669] : memref<4x64x128xf32, #tpu.memory_space<vmem>> -> memref<1x64x128xf32, #tpu.memory_space<vmem>>
      %swap3A_671 = tpu.memref_squeeze %swap3A_670 : memref<1x64x128xf32, #tpu.memory_space<vmem>> -> memref<64x128xf32, #tpu.memory_space<vmem>>
      %swap3A_672 = arith.index_cast %scan3A_600 : i32 to index
      %swap3A_673 = arith.constant 80 : index
      %swap3A_674 = tpu.vector_load %swap3A_671[%swap3A_672, %swap3A_673] {strides = array<i32>} : memref<64x128xf32, #tpu.memory_space<vmem>>, vector<1x16xf32>,
      %swap3A_675 = vector.shape_cast %swap3A_674 : vector<1x16xf32> to vector<16xf32>
      %swap3A_676 = vector.shape_cast %get3A_667 : vector<16xf32> to vector<1x16xf32>
      tpu.vector_store %swap3A_671[%swap3A_672, %swap3A_673], %swap3A_676 {add = true, strides = array<i32>} : memref<64x128xf32, #tpu.memory_space<vmem>>, vector<1x16xf32>,
      %get3A_677 = arith.index_cast %scan3A_600 : i32 to index
      %get3A_678 = arith.constant 96 : index
      %get3A_679 = tpu.vector_load %arg9[%get3A_677, %get3A_678] {strides = array<i32>} : memref<64x128xf32, #tpu.memory_space<vmem>>, vector<1x16xf32>,
      %get3A_680 = vector.shape_cast %get3A_679 : vector<1x16xf32> to vector<16xf32>
      %swap3A_681 = arith.constant 0 : i32
      %swap3A_682 = arith.constant 0 : i32
      %swap3A_683 = tpu.memref_slice %arg8[%scan3A_306, %swap3A_681, %swap3A_682] : memref<4x64x128xf32, #tpu.memory_space<vmem>> -> memref<1x64x128xf32, #tpu.memory_space<vmem>>
      %swap3A_684 = tpu.memref_squeeze %swap3A_683 : memref<1x64x128xf32, #tpu.memory_space<vmem>> -> memref<64x128xf32, #tpu.memory_space<vmem>>
      %swap3A_685 = arith.index_cast %scan3A_600 : i32 to index
      %swap3A_686 = arith.constant 96 : index
      %swap3A_687 = tpu.vector_load %swap3A_684[%swap3A_685, %swap3A_686] {strides = array<i32>} : memref<64x128xf32, #tpu.memory_space<vmem>>, vector<1x16xf32>,
      %swap3A_688 = vector.shape_cast %swap3A_687 : vector<1x16xf32> to vector<16xf32>
      %swap3A_689 = vector.shape_cast %get3A_680 : vector<16xf32> to vector<1x16xf32>
      tpu.vector_store %swap3A_684[%swap3A_685, %swap3A_686], %swap3A_689 {add = true, strides = array<i32>} : memref<64x128xf32, #tpu.memory_space<vmem>>, vector<1x16xf32>,
      %get3A_690 = arith.index_cast %scan3A_600 : i32 to index
      %get3A_691 = arith.constant 112 : index
      %get3A_692 = tpu.vector_load %arg9[%get3A_690, %get3A_691] {strides = array<i32>} : memref<64x128xf32, #tpu.memory_space<vmem>>, vector<1x16xf32>,
      %get3A_693 = vector.shape_cast %get3A_692 : vector<1x16xf32> to vector<16xf32>
      %swap3A_694 = arith.constant 0 : i32
      %swap3A_695 = arith.constant 0 : i32
      %swap3A_696 = tpu.memref_slice %arg8[%scan3A_306, %swap3A_694, %swap3A_695] : memref<4x64x128xf32, #tpu.memory_space<vmem>> -> memref<1x64x128xf32, #tpu.memory_space<vmem>>
      %swap3A_697 = tpu.memref_squeeze %swap3A_696 : memref<1x64x128xf32, #tpu.memory_space<vmem>> -> memref<64x128xf32, #tpu.memory_space<vmem>>
      %swap3A_698 = arith.index_cast %scan3A_600 : i32 to index
      %swap3A_699 = arith.constant 112 : index
      %swap3A_700 = tpu.vector_load %swap3A_697[%swap3A_698, %swap3A_699] {strides = array<i32>} : memref<64x128xf32, #tpu.memory_space<vmem>>, vector<1x16xf32>,
      %swap3A_701 = vector.shape_cast %swap3A_700 : vector<1x16xf32> to vector<16xf32>
      %swap3A_702 = vector.shape_cast %get3A_693 : vector<16xf32> to vector<1x16xf32>
      tpu.vector_store %swap3A_697[%swap3A_698, %swap3A_699], %swap3A_702 {add = true, strides = array<i32>} : memref<64x128xf32, #tpu.memory_space<vmem>>, vector<1x16xf32>,
    }
    %scan3A_311 = arith.constant 32 : i32
    %dma_wait3A_312 = arith.constant 1 : i32
    %dma_wait3A_313 = arith.constant 1 : i32
    %dma_wait3A_314 = arith.constant 0 : i32
    %dma_wait3A_315 = arith.constant 0 : i32
    %dma_wait3A_316 = tpu.memref_slice %arg8[%dma_wait3A_313, %dma_wait3A_314, %dma_wait3A_315] : memref<4x64x128xf32, #tpu.memory_space<vmem>> -> memref<1x64x128xf32, #tpu.memory_space<vmem>>
    %dma_wait3A_317 = tpu.memref_squeeze %dma_wait3A_316 : memref<1x64x128xf32, #tpu.memory_space<vmem>> -> memref<64x128xf32, #tpu.memory_space<vmem>>
    %dma_wait3A_318 = arith.constant 32 : i32
    %dma_wait3A_319 = arith.constant 0 : i32
    %dma_wait3A_320 = tpu.memref_slice %dma_wait3A_317[%dma_wait3A_318, %dma_wait3A_319] : memref<64x128xf32, #tpu.memory_space<vmem>> -> memref<32x128xf32, #tpu.memory_space<vmem>>
    %dma_wait3A_321 = arith.constant 32 : i32
    %dma_wait3A_322 = tpu.memref_slice %arg7[%dma_wait3A_312, %dma_wait3A_321] : memref<4x64xi32, #tpu.memory_space<vmem>> -> memref<1x32xi32, #tpu.memory_space<vmem>>
    %dma_wait3A_323 = tpu.memref_squeeze %dma_wait3A_322 : memref<1x32xi32, #tpu.memory_space<vmem>> -> memref<32xi32, #tpu.memory_space<vmem>>
    %dma_wait3A_324 = arith.constant 0 : i32
    %dma_wait3A_325 = arith.constant 0 : i32
    %dma_wait3A_326 = tpu.memref_slice %arg3[%dma_wait3A_324, %dma_wait3A_325] : memref<100000x128xf32, #tpu.memory_space<hbm>> -> memref<100000x128xf32, #tpu.memory_space<hbm>>
    tpu.wait_indirect_dma semaphore(%arg16 : memref<!tpu.dma_semaphore, #tpu.memory_space<semaphore_mem>>) src(%dma_wait3A_326 : memref<100000x128xf32, #tpu.memory_space<hbm>>) dst(%dma_wait3A_320 : memref<32x128xf32, #tpu.memory_space<vmem>>)
    %scan3A_327 = arith.constant 1 : i32
    %scan3A_328 = arith.constant 32 : i32
    %scan3A_329 = arith.constant 32 : i32
    %scan3A_330 = arith.addi %scan3A_328, %scan3A_329 : i32
    %scan3A_331 = arith.constant 1 : i32
    scf.for %scan3A_600 = %scan3A_328 to %scan3A_330 step %scan3A_331  : i32 {
      %get3A = arith.index_cast %scan3A_600 : i32 to index
      %get3A_601 = arith.constant 0 : index
      %get3A_602 = tpu.vector_load %arg9[%get3A, %get3A_601] {strides = array<i32>} : memref<64x128xf32, #tpu.memory_space<vmem>>, vector<1x16xf32>,
      %get3A_603 = vector.shape_cast %get3A_602 : vector<1x16xf32> to vector<16xf32>
      %swap3A = arith.constant 0 : i32
      %swap3A_604 = arith.constant 0 : i32
      %swap3A_605 = tpu.memref_slice %arg8[%scan3A_327, %swap3A, %swap3A_604] : memref<4x64x128xf32, #tpu.memory_space<vmem>> -> memref<1x64x128xf32, #tpu.memory_space<vmem>>
      %swap3A_606 = tpu.memref_squeeze %swap3A_605 : memref<1x64x128xf32, #tpu.memory_space<vmem>> -> memref<64x128xf32, #tpu.memory_space<vmem>>
      %swap3A_607 = arith.index_cast %scan3A_600 : i32 to index
      %swap3A_608 = arith.constant 0 : index
      %swap3A_609 = tpu.vector_load %swap3A_606[%swap3A_607, %swap3A_608] {strides = array<i32>} : memref<64x128xf32, #tpu.memory_space<vmem>>, vector<1x16xf32>,
      %swap3A_610 = vector.shape_cast %swap3A_609 : vector<1x16xf32> to vector<16xf32>
      %swap3A_611 = vector.shape_cast %get3A_603 : vector<16xf32> to vector<1x16xf32>
      tpu.vector_store %swap3A_606[%swap3A_607, %swap3A_608], %swap3A_611 {add = true, strides = array<i32>} : memref<64x128xf32, #tpu.memory_space<vmem>>, vector<1x16xf32>,
      %get3A_612 = arith.index_cast %scan3A_600 : i32 to index
      %get3A_613 = arith.constant 16 : index
      %get3A_614 = tpu.vector_load %arg9[%get3A_612, %get3A_613] {strides = array<i32>} : memref<64x128xf32, #tpu.memory_space<vmem>>, vector<1x16xf32>,
      %get3A_615 = vector.shape_cast %get3A_614 : vector<1x16xf32> to vector<16xf32>
      %swap3A_616 = arith.constant 0 : i32
      %swap3A_617 = arith.constant 0 : i32
      %swap3A_618 = tpu.memref_slice %arg8[%scan3A_327, %swap3A_616, %swap3A_617] : memref<4x64x128xf32, #tpu.memory_space<vmem>> -> memref<1x64x128xf32, #tpu.memory_space<vmem>>
      %swap3A_619 = tpu.memref_squeeze %swap3A_618 : memref<1x64x128xf32, #tpu.memory_space<vmem>> -> memref<64x128xf32, #tpu.memory_space<vmem>>
      %swap3A_620 = arith.index_cast %scan3A_600 : i32 to index
      %swap3A_621 = arith.constant 16 : index
      %swap3A_622 = tpu.vector_load %swap3A_619[%swap3A_620, %swap3A_621] {strides = array<i32>} : memref<64x128xf32, #tpu.memory_space<vmem>>, vector<1x16xf32>,
      %swap3A_623 = vector.shape_cast %swap3A_622 : vector<1x16xf32> to vector<16xf32>
      %swap3A_624 = vector.shape_cast %get3A_615 : vector<16xf32> to vector<1x16xf32>
      tpu.vector_store %swap3A_619[%swap3A_620, %swap3A_621], %swap3A_624 {add = true, strides = array<i32>} : memref<64x128xf32, #tpu.memory_space<vmem>>, vector<1x16xf32>,
      %get3A_625 = arith.index_cast %scan3A_600 : i32 to index
      %get3A_626 = arith.constant 32 : index
      %get3A_627 = tpu.vector_load %arg9[%get3A_625, %get3A_626] {strides = array<i32>} : memref<64x128xf32, #tpu.memory_space<vmem>>, vector<1x16xf32>,
      %get3A_628 = vector.shape_cast %get3A_627 : vector<1x16xf32> to vector<16xf32>
      %swap3A_629 = arith.constant 0 : i32
      %swap3A_630 = arith.constant 0 : i32
      %swap3A_631 = tpu.memref_slice %arg8[%scan3A_327, %swap3A_629, %swap3A_630] : memref<4x64x128xf32, #tpu.memory_space<vmem>> -> memref<1x64x128xf32, #tpu.memory_space<vmem>>
      %swap3A_632 = tpu.memref_squeeze %swap3A_631 : memref<1x64x128xf32, #tpu.memory_space<vmem>> -> memref<64x128xf32, #tpu.memory_space<vmem>>
      %swap3A_633 = arith.index_cast %scan3A_600 : i32 to index
      %swap3A_634 = arith.constant 32 : index
      %swap3A_635 = tpu.vector_load %swap3A_632[%swap3A_633, %swap3A_634] {strides = array<i32>} : memref<64x128xf32, #tpu.memory_space<vmem>>, vector<1x16xf32>,
      %swap3A_636 = vector.shape_cast %swap3A_635 : vector<1x16xf32> to vector<16xf32>
      %swap3A_637 = vector.shape_cast %get3A_628 : vector<16xf32> to vector<1x16xf32>
      tpu.vector_store %swap3A_632[%swap3A_633, %swap3A_634], %swap3A_637 {add = true, strides = array<i32>} : memref<64x128xf32, #tpu.memory_space<vmem>>, vector<1x16xf32>,
      %get3A_638 = arith.index_cast %scan3A_600 : i32 to index
      %get3A_639 = arith.constant 48 : index
      %get3A_640 = tpu.vector_load %arg9[%get3A_638, %get3A_639] {strides = array<i32>} : memref<64x128xf32, #tpu.memory_space<vmem>>, vector<1x16xf32>,
      %get3A_641 = vector.shape_cast %get3A_640 : vector<1x16xf32> to vector<16xf32>
      %swap3A_642 = arith.constant 0 : i32
      %swap3A_643 = arith.constant 0 : i32
      %swap3A_644 = tpu.memref_slice %arg8[%scan3A_327, %swap3A_642, %swap3A_643] : memref<4x64x128xf32, #tpu.memory_space<vmem>> -> memref<1x64x128xf32, #tpu.memory_space<vmem>>
      %swap3A_645 = tpu.memref_squeeze %swap3A_644 : memref<1x64x128xf32, #tpu.memory_space<vmem>> -> memref<64x128xf32, #tpu.memory_space<vmem>>
      %swap3A_646 = arith.index_cast %scan3A_600 : i32 to index
      %swap3A_647 = arith.constant 48 : index
      %swap3A_648 = tpu.vector_load %swap3A_645[%swap3A_646, %swap3A_647] {strides = array<i32>} : memref<64x128xf32, #tpu.memory_space<vmem>>, vector<1x16xf32>,
      %swap3A_649 = vector.shape_cast %swap3A_648 : vector<1x16xf32> to vector<16xf32>
      %swap3A_650 = vector.shape_cast %get3A_641 : vector<16xf32> to vector<1x16xf32>
      tpu.vector_store %swap3A_645[%swap3A_646, %swap3A_647], %swap3A_650 {add = true, strides = array<i32>} : memref<64x128xf32, #tpu.memory_space<vmem>>, vector<1x16xf32>,
      %get3A_651 = arith.index_cast %scan3A_600 : i32 to index
      %get3A_652 = arith.constant 64 : index
      %get3A_653 = tpu.vector_load %arg9[%get3A_651, %get3A_652] {strides = array<i32>} : memref<64x128xf32, #tpu.memory_space<vmem>>, vector<1x16xf32>,
      %get3A_654 = vector.shape_cast %get3A_653 : vector<1x16xf32> to vector<16xf32>
      %swap3A_655 = arith.constant 0 : i32
      %swap3A_656 = arith.constant 0 : i32
      %swap3A_657 = tpu.memref_slice %arg8[%scan3A_327, %swap3A_655, %swap3A_656] : memref<4x64x128xf32, #tpu.memory_space<vmem>> -> memref<1x64x128xf32, #tpu.memory_space<vmem>>
      %swap3A_658 = tpu.memref_squeeze %swap3A_657 : memref<1x64x128xf32, #tpu.memory_space<vmem>> -> memref<64x128xf32, #tpu.memory_space<vmem>>
      %swap3A_659 = arith.index_cast %scan3A_600 : i32 to index
      %swap3A_660 = arith.constant 64 : index
      %swap3A_661 = tpu.vector_load %swap3A_658[%swap3A_659, %swap3A_660] {strides = array<i32>} : memref<64x128xf32, #tpu.memory_space<vmem>>, vector<1x16xf32>,
      %swap3A_662 = vector.shape_cast %swap3A_661 : vector<1x16xf32> to vector<16xf32>
      %swap3A_663 = vector.shape_cast %get3A_654 : vector<16xf32> to vector<1x16xf32>
      tpu.vector_store %swap3A_658[%swap3A_659, %swap3A_660], %swap3A_663 {add = true, strides = array<i32>} : memref<64x128xf32, #tpu.memory_space<vmem>>, vector<1x16xf32>,
      %get3A_664 = arith.index_cast %scan3A_600 : i32 to index
      %get3A_665 = arith.constant 80 : index
      %get3A_666 = tpu.vector_load %arg9[%get3A_664, %get3A_665] {strides = array<i32>} : memref<64x128xf32, #tpu.memory_space<vmem>>, vector<1x16xf32>,
      %get3A_667 = vector.shape_cast %get3A_666 : vector<1x16xf32> to vector<16xf32>
      %swap3A_668 = arith.constant 0 : i32
      %swap3A_669 = arith.constant 0 : i32
      %swap3A_670 = tpu.memref_slice %arg8[%scan3A_327, %swap3A_668, %swap3A_669] : memref<4x64x128xf32, #tpu.memory_space<vmem>> -> memref<1x64x128xf32, #tpu.memory_space<vmem>>
      %swap3A_671 = tpu.memref_squeeze %swap3A_670 : memref<1x64x128xf32, #tpu.memory_space<vmem>> -> memref<64x128xf32, #tpu.memory_space<vmem>>
      %swap3A_672 = arith.index_cast %scan3A_600 : i32 to index
      %swap3A_673 = arith.constant 80 : index
      %swap3A_674 = tpu.vector_load %swap3A_671[%swap3A_672, %swap3A_673] {strides = array<i32>} : memref<64x128xf32, #tpu.memory_space<vmem>>, vector<1x16xf32>,
      %swap3A_675 = vector.shape_cast %swap3A_674 : vector<1x16xf32> to vector<16xf32>
      %swap3A_676 = vector.shape_cast %get3A_667 : vector<16xf32> to vector<1x16xf32>
      tpu.vector_store %swap3A_671[%swap3A_672, %swap3A_673], %swap3A_676 {add = true, strides = array<i32>} : memref<64x128xf32, #tpu.memory_space<vmem>>, vector<1x16xf32>,
      %get3A_677 = arith.index_cast %scan3A_600 : i32 to index
      %get3A_678 = arith.constant 96 : index
      %get3A_679 = tpu.vector_load %arg9[%get3A_677, %get3A_678] {strides = array<i32>} : memref<64x128xf32, #tpu.memory_space<vmem>>, vector<1x16xf32>,
      %get3A_680 = vector.shape_cast %get3A_679 : vector<1x16xf32> to vector<16xf32>
      %swap3A_681 = arith.constant 0 : i32
      %swap3A_682 = arith.constant 0 : i32
      %swap3A_683 = tpu.memref_slice %arg8[%scan3A_327, %swap3A_681, %swap3A_682] : memref<4x64x128xf32, #tpu.memory_space<vmem>> -> memref<1x64x128xf32, #tpu.memory_space<vmem>>
      %swap3A_684 = tpu.memref_squeeze %swap3A_683 : memref<1x64x128xf32, #tpu.memory_space<vmem>> -> memref<64x128xf32, #tpu.memory_space<vmem>>
      %swap3A_685 = arith.index_cast %scan3A_600 : i32 to index
      %swap3A_686 = arith.constant 96 : index
      %swap3A_687 = tpu.vector_load %swap3A_684[%swap3A_685, %swap3A_686] {strides = array<i32>} : memref<64x128xf32, #tpu.memory_space<vmem>>, vector<1x16xf32>,
      %swap3A_688 = vector.shape_cast %swap3A_687 : vector<1x16xf32> to vector<16xf32>
      %swap3A_689 = vector.shape_cast %get3A_680 : vector<16xf32> to vector<1x16xf32>
      tpu.vector_store %swap3A_684[%swap3A_685, %swap3A_686], %swap3A_689 {add = true, strides = array<i32>} : memref<64x128xf32, #tpu.memory_space<vmem>>, vector<1x16xf32>,
      %get3A_690 = arith.index_cast %scan3A_600 : i32 to index
      %get3A_691 = arith.constant 112 : index
      %get3A_692 = tpu.vector_load %arg9[%get3A_690, %get3A_691] {strides = array<i32>} : memref<64x128xf32, #tpu.memory_space<vmem>>, vector<1x16xf32>,
      %get3A_693 = vector.shape_cast %get3A_692 : vector<1x16xf32> to vector<16xf32>
      %swap3A_694 = arith.constant 0 : i32
      %swap3A_695 = arith.constant 0 : i32
      %swap3A_696 = tpu.memref_slice %arg8[%scan3A_327, %swap3A_694, %swap3A_695] : memref<4x64x128xf32, #tpu.memory_space<vmem>> -> memref<1x64x128xf32, #tpu.memory_space<vmem>>
      %swap3A_697 = tpu.memref_squeeze %swap3A_696 : memref<1x64x128xf32, #tpu.memory_space<vmem>> -> memref<64x128xf32, #tpu.memory_space<vmem>>
      %swap3A_698 = arith.index_cast %scan3A_600 : i32 to index
      %swap3A_699 = arith.constant 112 : index
      %swap3A_700 = tpu.vector_load %swap3A_697[%swap3A_698, %swap3A_699] {strides = array<i32>} : memref<64x128xf32, #tpu.memory_space<vmem>>, vector<1x16xf32>,
      %swap3A_701 = vector.shape_cast %swap3A_700 : vector<1x16xf32> to vector<16xf32>
      %swap3A_702 = vector.shape_cast %get3A_693 : vector<16xf32> to vector<1x16xf32>
      tpu.vector_store %swap3A_697[%swap3A_698, %swap3A_699], %swap3A_702 {add = true, strides = array<i32>} : memref<64x128xf32, #tpu.memory_space<vmem>>, vector<1x16xf32>,
    }
    %scan3A_332 = arith.constant 32 : i32
    %add3A_333 = arith.constant 8 : i32
    %add3A_334 = arith.addi %add3A_333, %mul3A_2 : i32
    %dma_start3A_335 = arith.constant 1 : i32
    %dma_start3A_336 = arith.constant 1 : i32
    %dma_start3A_337 = arith.constant 0 : i32
    %dma_start3A_338 = arith.constant 0 : i32
    %dma_start3A_339 = tpu.memref_slice %arg8[%dma_start3A_335, %dma_start3A_337, %dma_start3A_338] : memref<4x64x128xf32, #tpu.memory_space<vmem>> -> memref<1x64x128xf32, #tpu.memory_space<vmem>>
    %dma_start3A_340 = tpu.memref_squeeze %dma_start3A_339 : memref<1x64x128xf32, #tpu.memory_space<vmem>> -> memref<64x128xf32, #tpu.memory_space<vmem>>
    %dma_start3A_341 = arith.constant 0 : i32
    %dma_start3A_342 = tpu.memref_slice %arg6[%dma_start3A_336, %add3A_334, %dma_start3A_341] : memref<4x2056x128xf32, #tpu.memory_space<hbm>> -> memref<1x64x128xf32, #tpu.memory_space<hbm>>
    %dma_start3A_343 = tpu.memref_squeeze %dma_start3A_342 : memref<1x64x128xf32, #tpu.memory_space<hbm>> -> memref<64x128xf32, #tpu.memory_space<hbm>>
    %dma_start3A_344 = arith.constant 0 : i32
    %dma_start3A_345 = tpu.memref_slice %arg6[%dma_start3A_336, %add3A_334, %dma_start3A_344] : memref<4x2056x128xf32, #tpu.memory_space<hbm>> -> memref<1x64x128xf32, #tpu.memory_space<hbm>>
    %dma_start3A_346 = tpu.memref_squeeze %dma_start3A_345 : memref<1x64x128xf32, #tpu.memory_space<hbm>> -> memref<64x128xf32, #tpu.memory_space<hbm>>
    %dma_start3A_347 = arith.constant 0 : i32
    %dma_start3A_348 = arith.constant 0 : i32
    %dma_start3A_349 = tpu.memref_slice %arg8[%dma_start3A_335, %dma_start3A_347, %dma_start3A_348] : memref<4x64x128xf32, #tpu.memory_space<vmem>> -> memref<1x64x128xf32, #tpu.memory_space<vmem>>
    %dma_start3A_350 = tpu.memref_squeeze %dma_start3A_349 : memref<1x64x128xf32, #tpu.memory_space<vmem>> -> memref<64x128xf32, #tpu.memory_space<vmem>>
    tpu.enqueue_dma source(%dma_start3A_350 : memref<64x128xf32, #tpu.memory_space<vmem>>) target(%dma_start3A_346 : memref<64x128xf32, #tpu.memory_space<hbm>>) target_semaphore(%arg21 : memref<!tpu.dma_semaphore, #tpu.memory_space<semaphore_mem>>)
    %dma_wait3A_351 = arith.constant 2 : i32
    %dma_wait3A_352 = arith.constant 2 : i32
    %dma_wait3A_353 = arith.constant 0 : i32
    %dma_wait3A_354 = arith.constant 0 : i32
    %dma_wait3A_355 = tpu.memref_slice %arg8[%dma_wait3A_352, %dma_wait3A_353, %dma_wait3A_354] : memref<4x64x128xf32, #tpu.memory_space<vmem>> -> memref<1x64x128xf32, #tpu.memory_space<vmem>>
    %dma_wait3A_356 = tpu.memref_squeeze %dma_wait3A_355 : memref<1x64x128xf32, #tpu.memory_space<vmem>> -> memref<64x128xf32, #tpu.memory_space<vmem>>
    %dma_wait3A_357 = arith.constant 0 : i32
    %dma_wait3A_358 = arith.constant 0 : i32
    %dma_wait3A_359 = tpu.memref_slice %dma_wait3A_356[%dma_wait3A_357, %dma_wait3A_358] : memref<64x128xf32, #tpu.memory_space<vmem>> -> memref<32x128xf32, #tpu.memory_space<vmem>>
    %dma_wait3A_360 = arith.constant 0 : i32
    %dma_wait3A_361 = tpu.memref_slice %arg7[%dma_wait3A_351, %dma_wait3A_360] : memref<4x64xi32, #tpu.memory_space<vmem>> -> memref<1x32xi32, #tpu.memory_space<vmem>>
    %dma_wait3A_362 = tpu.memref_squeeze %dma_wait3A_361 : memref<1x32xi32, #tpu.memory_space<vmem>> -> memref<32xi32, #tpu.memory_space<vmem>>
    %dma_wait3A_363 = arith.constant 0 : i32
    %dma_wait3A_364 = arith.constant 0 : i32
    %dma_wait3A_365 = tpu.memref_slice %arg3[%dma_wait3A_363, %dma_wait3A_364] : memref<100000x128xf32, #tpu.memory_space<hbm>> -> memref<100000x128xf32, #tpu.memory_space<hbm>>
    tpu.wait_indirect_dma semaphore(%arg13 : memref<!tpu.dma_semaphore, #tpu.memory_space<semaphore_mem>>) src(%dma_wait3A_365 : memref<100000x128xf32, #tpu.memory_space<hbm>>) dst(%dma_wait3A_359 : memref<32x128xf32, #tpu.memory_space<vmem>>)
    %scan3A_366 = arith.constant 2 : i32
    %scan3A_367 = arith.constant 0 : i32
    %scan3A_368 = arith.constant 32 : i32
    %scan3A_369 = arith.addi %scan3A_367, %scan3A_368 : i32
    %scan3A_370 = arith.constant 1 : i32
    scf.for %scan3A_600 = %scan3A_367 to %scan3A_369 step %scan3A_370  : i32 {
      %get3A = arith.index_cast %scan3A_600 : i32 to index
      %get3A_601 = arith.constant 0 : index
      %get3A_602 = tpu.vector_load %arg9[%get3A, %get3A_601] {strides = array<i32>} : memref<64x128xf32, #tpu.memory_space<vmem>>, vector<1x16xf32>,
      %get3A_603 = vector.shape_cast %get3A_602 : vector<1x16xf32> to vector<16xf32>
      %swap3A = arith.constant 0 : i32
      %swap3A_604 = arith.constant 0 : i32
      %swap3A_605 = tpu.memref_slice %arg8[%scan3A_366, %swap3A, %swap3A_604] : memref<4x64x128xf32, #tpu.memory_space<vmem>> -> memref<1x64x128xf32, #tpu.memory_space<vmem>>
      %swap3A_606 = tpu.memref_squeeze %swap3A_605 : memref<1x64x128xf32, #tpu.memory_space<vmem>> -> memref<64x128xf32, #tpu.memory_space<vmem>>
      %swap3A_607 = arith.index_cast %scan3A_600 : i32 to index
      %swap3A_608 = arith.constant 0 : index
      %swap3A_609 = tpu.vector_load %swap3A_606[%swap3A_607, %swap3A_608] {strides = array<i32>} : memref<64x128xf32, #tpu.memory_space<vmem>>, vector<1x16xf32>,
      %swap3A_610 = vector.shape_cast %swap3A_609 : vector<1x16xf32> to vector<16xf32>
      %swap3A_611 = vector.shape_cast %get3A_603 : vector<16xf32> to vector<1x16xf32>
      tpu.vector_store %swap3A_606[%swap3A_607, %swap3A_608], %swap3A_611 {add = true, strides = array<i32>} : memref<64x128xf32, #tpu.memory_space<vmem>>, vector<1x16xf32>,
      %get3A_612 = arith.index_cast %scan3A_600 : i32 to index
      %get3A_613 = arith.constant 16 : index
      %get3A_614 = tpu.vector_load %arg9[%get3A_612, %get3A_613] {strides = array<i32>} : memref<64x128xf32, #tpu.memory_space<vmem>>, vector<1x16xf32>,
      %get3A_615 = vector.shape_cast %get3A_614 : vector<1x16xf32> to vector<16xf32>
      %swap3A_616 = arith.constant 0 : i32
      %swap3A_617 = arith.constant 0 : i32
      %swap3A_618 = tpu.memref_slice %arg8[%scan3A_366, %swap3A_616, %swap3A_617] : memref<4x64x128xf32, #tpu.memory_space<vmem>> -> memref<1x64x128xf32, #tpu.memory_space<vmem>>
      %swap3A_619 = tpu.memref_squeeze %swap3A_618 : memref<1x64x128xf32, #tpu.memory_space<vmem>> -> memref<64x128xf32, #tpu.memory_space<vmem>>
      %swap3A_620 = arith.index_cast %scan3A_600 : i32 to index
      %swap3A_621 = arith.constant 16 : index
      %swap3A_622 = tpu.vector_load %swap3A_619[%swap3A_620, %swap3A_621] {strides = array<i32>} : memref<64x128xf32, #tpu.memory_space<vmem>>, vector<1x16xf32>,
      %swap3A_623 = vector.shape_cast %swap3A_622 : vector<1x16xf32> to vector<16xf32>
      %swap3A_624 = vector.shape_cast %get3A_615 : vector<16xf32> to vector<1x16xf32>
      tpu.vector_store %swap3A_619[%swap3A_620, %swap3A_621], %swap3A_624 {add = true, strides = array<i32>} : memref<64x128xf32, #tpu.memory_space<vmem>>, vector<1x16xf32>,
      %get3A_625 = arith.index_cast %scan3A_600 : i32 to index
      %get3A_626 = arith.constant 32 : index
      %get3A_627 = tpu.vector_load %arg9[%get3A_625, %get3A_626] {strides = array<i32>} : memref<64x128xf32, #tpu.memory_space<vmem>>, vector<1x16xf32>,
      %get3A_628 = vector.shape_cast %get3A_627 : vector<1x16xf32> to vector<16xf32>
      %swap3A_629 = arith.constant 0 : i32
      %swap3A_630 = arith.constant 0 : i32
      %swap3A_631 = tpu.memref_slice %arg8[%scan3A_366, %swap3A_629, %swap3A_630] : memref<4x64x128xf32, #tpu.memory_space<vmem>> -> memref<1x64x128xf32, #tpu.memory_space<vmem>>
      %swap3A_632 = tpu.memref_squeeze %swap3A_631 : memref<1x64x128xf32, #tpu.memory_space<vmem>> -> memref<64x128xf32, #tpu.memory_space<vmem>>
      %swap3A_633 = arith.index_cast %scan3A_600 : i32 to index
      %swap3A_634 = arith.constant 32 : index
      %swap3A_635 = tpu.vector_load %swap3A_632[%swap3A_633, %swap3A_634] {strides = array<i32>} : memref<64x128xf32, #tpu.memory_space<vmem>>, vector<1x16xf32>,
      %swap3A_636 = vector.shape_cast %swap3A_635 : vector<1x16xf32> to vector<16xf32>
      %swap3A_637 = vector.shape_cast %get3A_628 : vector<16xf32> to vector<1x16xf32>
      tpu.vector_store %swap3A_632[%swap3A_633, %swap3A_634], %swap3A_637 {add = true, strides = array<i32>} : memref<64x128xf32, #tpu.memory_space<vmem>>, vector<1x16xf32>,
      %get3A_638 = arith.index_cast %scan3A_600 : i32 to index
      %get3A_639 = arith.constant 48 : index
      %get3A_640 = tpu.vector_load %arg9[%get3A_638, %get3A_639] {strides = array<i32>} : memref<64x128xf32, #tpu.memory_space<vmem>>, vector<1x16xf32>,
      %get3A_641 = vector.shape_cast %get3A_640 : vector<1x16xf32> to vector<16xf32>
      %swap3A_642 = arith.constant 0 : i32
      %swap3A_643 = arith.constant 0 : i32
      %swap3A_644 = tpu.memref_slice %arg8[%scan3A_366, %swap3A_642, %swap3A_643] : memref<4x64x128xf32, #tpu.memory_space<vmem>> -> memref<1x64x128xf32, #tpu.memory_space<vmem>>
      %swap3A_645 = tpu.memref_squeeze %swap3A_644 : memref<1x64x128xf32, #tpu.memory_space<vmem>> -> memref<64x128xf32, #tpu.memory_space<vmem>>
      %swap3A_646 = arith.index_cast %scan3A_600 : i32 to index
      %swap3A_647 = arith.constant 48 : index
      %swap3A_648 = tpu.vector_load %swap3A_645[%swap3A_646, %swap3A_647] {strides = array<i32>} : memref<64x128xf32, #tpu.memory_space<vmem>>, vector<1x16xf32>,
      %swap3A_649 = vector.shape_cast %swap3A_648 : vector<1x16xf32> to vector<16xf32>
      %swap3A_650 = vector.shape_cast %get3A_641 : vector<16xf32> to vector<1x16xf32>
      tpu.vector_store %swap3A_645[%swap3A_646, %swap3A_647], %swap3A_650 {add = true, strides = array<i32>} : memref<64x128xf32, #tpu.memory_space<vmem>>, vector<1x16xf32>,
      %get3A_651 = arith.index_cast %scan3A_600 : i32 to index
      %get3A_652 = arith.constant 64 : index
      %get3A_653 = tpu.vector_load %arg9[%get3A_651, %get3A_652] {strides = array<i32>} : memref<64x128xf32, #tpu.memory_space<vmem>>, vector<1x16xf32>,
      %get3A_654 = vector.shape_cast %get3A_653 : vector<1x16xf32> to vector<16xf32>
      %swap3A_655 = arith.constant 0 : i32
      %swap3A_656 = arith.constant 0 : i32
      %swap3A_657 = tpu.memref_slice %arg8[%scan3A_366, %swap3A_655, %swap3A_656] : memref<4x64x128xf32, #tpu.memory_space<vmem>> -> memref<1x64x128xf32, #tpu.memory_space<vmem>>
      %swap3A_658 = tpu.memref_squeeze %swap3A_657 : memref<1x64x128xf32, #tpu.memory_space<vmem>> -> memref<64x128xf32, #tpu.memory_space<vmem>>
      %swap3A_659 = arith.index_cast %scan3A_600 : i32 to index
      %swap3A_660 = arith.constant 64 : index
      %swap3A_661 = tpu.vector_load %swap3A_658[%swap3A_659, %swap3A_660] {strides = array<i32>} : memref<64x128xf32, #tpu.memory_space<vmem>>, vector<1x16xf32>,
      %swap3A_662 = vector.shape_cast %swap3A_661 : vector<1x16xf32> to vector<16xf32>
      %swap3A_663 = vector.shape_cast %get3A_654 : vector<16xf32> to vector<1x16xf32>
      tpu.vector_store %swap3A_658[%swap3A_659, %swap3A_660], %swap3A_663 {add = true, strides = array<i32>} : memref<64x128xf32, #tpu.memory_space<vmem>>, vector<1x16xf32>,
      %get3A_664 = arith.index_cast %scan3A_600 : i32 to index
      %get3A_665 = arith.constant 80 : index
      %get3A_666 = tpu.vector_load %arg9[%get3A_664, %get3A_665] {strides = array<i32>} : memref<64x128xf32, #tpu.memory_space<vmem>>, vector<1x16xf32>,
      %get3A_667 = vector.shape_cast %get3A_666 : vector<1x16xf32> to vector<16xf32>
      %swap3A_668 = arith.constant 0 : i32
      %swap3A_669 = arith.constant 0 : i32
      %swap3A_670 = tpu.memref_slice %arg8[%scan3A_366, %swap3A_668, %swap3A_669] : memref<4x64x128xf32, #tpu.memory_space<vmem>> -> memref<1x64x128xf32, #tpu.memory_space<vmem>>
      %swap3A_671 = tpu.memref_squeeze %swap3A_670 : memref<1x64x128xf32, #tpu.memory_space<vmem>> -> memref<64x128xf32, #tpu.memory_space<vmem>>
      %swap3A_672 = arith.index_cast %scan3A_600 : i32 to index
      %swap3A_673 = arith.constant 80 : index
      %swap3A_674 = tpu.vector_load %swap3A_671[%swap3A_672, %swap3A_673] {strides = array<i32>} : memref<64x128xf32, #tpu.memory_space<vmem>>, vector<1x16xf32>,
      %swap3A_675 = vector.shape_cast %swap3A_674 : vector<1x16xf32> to vector<16xf32>
      %swap3A_676 = vector.shape_cast %get3A_667 : vector<16xf32> to vector<1x16xf32>
      tpu.vector_store %swap3A_671[%swap3A_672, %swap3A_673], %swap3A_676 {add = true, strides = array<i32>} : memref<64x128xf32, #tpu.memory_space<vmem>>, vector<1x16xf32>,
      %get3A_677 = arith.index_cast %scan3A_600 : i32 to index
      %get3A_678 = arith.constant 96 : index
      %get3A_679 = tpu.vector_load %arg9[%get3A_677, %get3A_678] {strides = array<i32>} : memref<64x128xf32, #tpu.memory_space<vmem>>, vector<1x16xf32>,
      %get3A_680 = vector.shape_cast %get3A_679 : vector<1x16xf32> to vector<16xf32>
      %swap3A_681 = arith.constant 0 : i32
      %swap3A_682 = arith.constant 0 : i32
      %swap3A_683 = tpu.memref_slice %arg8[%scan3A_366, %swap3A_681, %swap3A_682] : memref<4x64x128xf32, #tpu.memory_space<vmem>> -> memref<1x64x128xf32, #tpu.memory_space<vmem>>
      %swap3A_684 = tpu.memref_squeeze %swap3A_683 : memref<1x64x128xf32, #tpu.memory_space<vmem>> -> memref<64x128xf32, #tpu.memory_space<vmem>>
      %swap3A_685 = arith.index_cast %scan3A_600 : i32 to index
      %swap3A_686 = arith.constant 96 : index
      %swap3A_687 = tpu.vector_load %swap3A_684[%swap3A_685, %swap3A_686] {strides = array<i32>} : memref<64x128xf32, #tpu.memory_space<vmem>>, vector<1x16xf32>,
      %swap3A_688 = vector.shape_cast %swap3A_687 : vector<1x16xf32> to vector<16xf32>
      %swap3A_689 = vector.shape_cast %get3A_680 : vector<16xf32> to vector<1x16xf32>
      tpu.vector_store %swap3A_684[%swap3A_685, %swap3A_686], %swap3A_689 {add = true, strides = array<i32>} : memref<64x128xf32, #tpu.memory_space<vmem>>, vector<1x16xf32>,
      %get3A_690 = arith.index_cast %scan3A_600 : i32 to index
      %get3A_691 = arith.constant 112 : index
      %get3A_692 = tpu.vector_load %arg9[%get3A_690, %get3A_691] {strides = array<i32>} : memref<64x128xf32, #tpu.memory_space<vmem>>, vector<1x16xf32>,
      %get3A_693 = vector.shape_cast %get3A_692 : vector<1x16xf32> to vector<16xf32>
      %swap3A_694 = arith.constant 0 : i32
      %swap3A_695 = arith.constant 0 : i32
      %swap3A_696 = tpu.memref_slice %arg8[%scan3A_366, %swap3A_694, %swap3A_695] : memref<4x64x128xf32, #tpu.memory_space<vmem>> -> memref<1x64x128xf32, #tpu.memory_space<vmem>>
      %swap3A_697 = tpu.memref_squeeze %swap3A_696 : memref<1x64x128xf32, #tpu.memory_space<vmem>> -> memref<64x128xf32, #tpu.memory_space<vmem>>
      %swap3A_698 = arith.index_cast %scan3A_600 : i32 to index
      %swap3A_699 = arith.constant 112 : index
      %swap3A_700 = tpu.vector_load %swap3A_697[%swap3A_698, %swap3A_699] {strides = array<i32>} : memref<64x128xf32, #tpu.memory_space<vmem>>, vector<1x16xf32>,
      %swap3A_701 = vector.shape_cast %swap3A_700 : vector<1x16xf32> to vector<16xf32>
      %swap3A_702 = vector.shape_cast %get3A_693 : vector<16xf32> to vector<1x16xf32>
      tpu.vector_store %swap3A_697[%swap3A_698, %swap3A_699], %swap3A_702 {add = true, strides = array<i32>} : memref<64x128xf32, #tpu.memory_space<vmem>>, vector<1x16xf32>,
    }
    %scan3A_371 = arith.constant 32 : i32
    %dma_wait3A_372 = arith.constant 2 : i32
    %dma_wait3A_373 = arith.constant 2 : i32
    %dma_wait3A_374 = arith.constant 0 : i32
    %dma_wait3A_375 = arith.constant 0 : i32
    %dma_wait3A_376 = tpu.memref_slice %arg8[%dma_wait3A_373, %dma_wait3A_374, %dma_wait3A_375] : memref<4x64x128xf32, #tpu.memory_space<vmem>> -> memref<1x64x128xf32, #tpu.memory_space<vmem>>
    %dma_wait3A_377 = tpu.memref_squeeze %dma_wait3A_376 : memref<1x64x128xf32, #tpu.memory_space<vmem>> -> memref<64x128xf32, #tpu.memory_space<vmem>>
    %dma_wait3A_378 = arith.constant 32 : i32
    %dma_wait3A_379 = arith.constant 0 : i32
    %dma_wait3A_380 = tpu.memref_slice %dma_wait3A_377[%dma_wait3A_378, %dma_wait3A_379] : memref<64x128xf32, #tpu.memory_space<vmem>> -> memref<32x128xf32, #tpu.memory_space<vmem>>
    %dma_wait3A_381 = arith.constant 32 : i32
    %dma_wait3A_382 = tpu.memref_slice %arg7[%dma_wait3A_372, %dma_wait3A_381] : memref<4x64xi32, #tpu.memory_space<vmem>> -> memref<1x32xi32, #tpu.memory_space<vmem>>
    %dma_wait3A_383 = tpu.memref_squeeze %dma_wait3A_382 : memref<1x32xi32, #tpu.memory_space<vmem>> -> memref<32xi32, #tpu.memory_space<vmem>>
    %dma_wait3A_384 = arith.constant 0 : i32
    %dma_wait3A_385 = arith.constant 0 : i32
    %dma_wait3A_386 = tpu.memref_slice %arg3[%dma_wait3A_384, %dma_wait3A_385] : memref<100000x128xf32, #tpu.memory_space<hbm>> -> memref<100000x128xf32, #tpu.memory_space<hbm>>
    tpu.wait_indirect_dma semaphore(%arg17 : memref<!tpu.dma_semaphore, #tpu.memory_space<semaphore_mem>>) src(%dma_wait3A_386 : memref<100000x128xf32, #tpu.memory_space<hbm>>) dst(%dma_wait3A_380 : memref<32x128xf32, #tpu.memory_space<vmem>>)
    %scan3A_387 = arith.constant 2 : i32
    %scan3A_388 = arith.constant 32 : i32
    %scan3A_389 = arith.constant 32 : i32
    %scan3A_390 = arith.addi %scan3A_388, %scan3A_389 : i32
    %scan3A_391 = arith.constant 1 : i32
    scf.for %scan3A_600 = %scan3A_388 to %scan3A_390 step %scan3A_391  : i32 {
      %get3A = arith.index_cast %scan3A_600 : i32 to index
      %get3A_601 = arith.constant 0 : index
      %get3A_602 = tpu.vector_load %arg9[%get3A, %get3A_601] {strides = array<i32>} : memref<64x128xf32, #tpu.memory_space<vmem>>, vector<1x16xf32>,
      %get3A_603 = vector.shape_cast %get3A_602 : vector<1x16xf32> to vector<16xf32>
      %swap3A = arith.constant 0 : i32
      %swap3A_604 = arith.constant 0 : i32
      %swap3A_605 = tpu.memref_slice %arg8[%scan3A_387, %swap3A, %swap3A_604] : memref<4x64x128xf32, #tpu.memory_space<vmem>> -> memref<1x64x128xf32, #tpu.memory_space<vmem>>
      %swap3A_606 = tpu.memref_squeeze %swap3A_605 : memref<1x64x128xf32, #tpu.memory_space<vmem>> -> memref<64x128xf32, #tpu.memory_space<vmem>>
      %swap3A_607 = arith.index_cast %scan3A_600 : i32 to index
      %swap3A_608 = arith.constant 0 : index
      %swap3A_609 = tpu.vector_load %swap3A_606[%swap3A_607, %swap3A_608] {strides = array<i32>} : memref<64x128xf32, #tpu.memory_space<vmem>>, vector<1x16xf32>,
      %swap3A_610 = vector.shape_cast %swap3A_609 : vector<1x16xf32> to vector<16xf32>
      %swap3A_611 = vector.shape_cast %get3A_603 : vector<16xf32> to vector<1x16xf32>
      tpu.vector_store %swap3A_606[%swap3A_607, %swap3A_608], %swap3A_611 {add = true, strides = array<i32>} : memref<64x128xf32, #tpu.memory_space<vmem>>, vector<1x16xf32>,
      %get3A_612 = arith.index_cast %scan3A_600 : i32 to index
      %get3A_613 = arith.constant 16 : index
      %get3A_614 = tpu.vector_load %arg9[%get3A_612, %get3A_613] {strides = array<i32>} : memref<64x128xf32, #tpu.memory_space<vmem>>, vector<1x16xf32>,
      %get3A_615 = vector.shape_cast %get3A_614 : vector<1x16xf32> to vector<16xf32>
      %swap3A_616 = arith.constant 0 : i32
      %swap3A_617 = arith.constant 0 : i32
      %swap3A_618 = tpu.memref_slice %arg8[%scan3A_387, %swap3A_616, %swap3A_617] : memref<4x64x128xf32, #tpu.memory_space<vmem>> -> memref<1x64x128xf32, #tpu.memory_space<vmem>>
      %swap3A_619 = tpu.memref_squeeze %swap3A_618 : memref<1x64x128xf32, #tpu.memory_space<vmem>> -> memref<64x128xf32, #tpu.memory_space<vmem>>
      %swap3A_620 = arith.index_cast %scan3A_600 : i32 to index
      %swap3A_621 = arith.constant 16 : index
      %swap3A_622 = tpu.vector_load %swap3A_619[%swap3A_620, %swap3A_621] {strides = array<i32>} : memref<64x128xf32, #tpu.memory_space<vmem>>, vector<1x16xf32>,
      %swap3A_623 = vector.shape_cast %swap3A_622 : vector<1x16xf32> to vector<16xf32>
      %swap3A_624 = vector.shape_cast %get3A_615 : vector<16xf32> to vector<1x16xf32>
      tpu.vector_store %swap3A_619[%swap3A_620, %swap3A_621], %swap3A_624 {add = true, strides = array<i32>} : memref<64x128xf32, #tpu.memory_space<vmem>>, vector<1x16xf32>,
      %get3A_625 = arith.index_cast %scan3A_600 : i32 to index
      %get3A_626 = arith.constant 32 : index
      %get3A_627 = tpu.vector_load %arg9[%get3A_625, %get3A_626] {strides = array<i32>} : memref<64x128xf32, #tpu.memory_space<vmem>>, vector<1x16xf32>,
      %get3A_628 = vector.shape_cast %get3A_627 : vector<1x16xf32> to vector<16xf32>
      %swap3A_629 = arith.constant 0 : i32
      %swap3A_630 = arith.constant 0 : i32
      %swap3A_631 = tpu.memref_slice %arg8[%scan3A_387, %swap3A_629, %swap3A_630] : memref<4x64x128xf32, #tpu.memory_space<vmem>> -> memref<1x64x128xf32, #tpu.memory_space<vmem>>
      %swap3A_632 = tpu.memref_squeeze %swap3A_631 : memref<1x64x128xf32, #tpu.memory_space<vmem>> -> memref<64x128xf32, #tpu.memory_space<vmem>>
      %swap3A_633 = arith.index_cast %scan3A_600 : i32 to index
      %swap3A_634 = arith.constant 32 : index
      %swap3A_635 = tpu.vector_load %swap3A_632[%swap3A_633, %swap3A_634] {strides = array<i32>} : memref<64x128xf32, #tpu.memory_space<vmem>>, vector<1x16xf32>,
      %swap3A_636 = vector.shape_cast %swap3A_635 : vector<1x16xf32> to vector<16xf32>
      %swap3A_637 = vector.shape_cast %get3A_628 : vector<16xf32> to vector<1x16xf32>
      tpu.vector_store %swap3A_632[%swap3A_633, %swap3A_634], %swap3A_637 {add = true, strides = array<i32>} : memref<64x128xf32, #tpu.memory_space<vmem>>, vector<1x16xf32>,
      %get3A_638 = arith.index_cast %scan3A_600 : i32 to index
      %get3A_639 = arith.constant 48 : index
      %get3A_640 = tpu.vector_load %arg9[%get3A_638, %get3A_639] {strides = array<i32>} : memref<64x128xf32, #tpu.memory_space<vmem>>, vector<1x16xf32>,
      %get3A_641 = vector.shape_cast %get3A_640 : vector<1x16xf32> to vector<16xf32>
      %swap3A_642 = arith.constant 0 : i32
      %swap3A_643 = arith.constant 0 : i32
      %swap3A_644 = tpu.memref_slice %arg8[%scan3A_387, %swap3A_642, %swap3A_643] : memref<4x64x128xf32, #tpu.memory_space<vmem>> -> memref<1x64x128xf32, #tpu.memory_space<vmem>>
      %swap3A_645 = tpu.memref_squeeze %swap3A_644 : memref<1x64x128xf32, #tpu.memory_space<vmem>> -> memref<64x128xf32, #tpu.memory_space<vmem>>
      %swap3A_646 = arith.index_cast %scan3A_600 : i32 to index
      %swap3A_647 = arith.constant 48 : index
      %swap3A_648 = tpu.vector_load %swap3A_645[%swap3A_646, %swap3A_647] {strides = array<i32>} : memref<64x128xf32, #tpu.memory_space<vmem>>, vector<1x16xf32>,
      %swap3A_649 = vector.shape_cast %swap3A_648 : vector<1x16xf32> to vector<16xf32>
      %swap3A_650 = vector.shape_cast %get3A_641 : vector<16xf32> to vector<1x16xf32>
      tpu.vector_store %swap3A_645[%swap3A_646, %swap3A_647], %swap3A_650 {add = true, strides = array<i32>} : memref<64x128xf32, #tpu.memory_space<vmem>>, vector<1x16xf32>,
      %get3A_651 = arith.index_cast %scan3A_600 : i32 to index
      %get3A_652 = arith.constant 64 : index
      %get3A_653 = tpu.vector_load %arg9[%get3A_651, %get3A_652] {strides = array<i32>} : memref<64x128xf32, #tpu.memory_space<vmem>>, vector<1x16xf32>,
      %get3A_654 = vector.shape_cast %get3A_653 : vector<1x16xf32> to vector<16xf32>
      %swap3A_655 = arith.constant 0 : i32
      %swap3A_656 = arith.constant 0 : i32
      %swap3A_657 = tpu.memref_slice %arg8[%scan3A_387, %swap3A_655, %swap3A_656] : memref<4x64x128xf32, #tpu.memory_space<vmem>> -> memref<1x64x128xf32, #tpu.memory_space<vmem>>
      %swap3A_658 = tpu.memref_squeeze %swap3A_657 : memref<1x64x128xf32, #tpu.memory_space<vmem>> -> memref<64x128xf32, #tpu.memory_space<vmem>>
      %swap3A_659 = arith.index_cast %scan3A_600 : i32 to index
      %swap3A_660 = arith.constant 64 : index
      %swap3A_661 = tpu.vector_load %swap3A_658[%swap3A_659, %swap3A_660] {strides = array<i32>} : memref<64x128xf32, #tpu.memory_space<vmem>>, vector<1x16xf32>,
      %swap3A_662 = vector.shape_cast %swap3A_661 : vector<1x16xf32> to vector<16xf32>
      %swap3A_663 = vector.shape_cast %get3A_654 : vector<16xf32> to vector<1x16xf32>
      tpu.vector_store %swap3A_658[%swap3A_659, %swap3A_660], %swap3A_663 {add = true, strides = array<i32>} : memref<64x128xf32, #tpu.memory_space<vmem>>, vector<1x16xf32>,
      %get3A_664 = arith.index_cast %scan3A_600 : i32 to index
      %get3A_665 = arith.constant 80 : index
      %get3A_666 = tpu.vector_load %arg9[%get3A_664, %get3A_665] {strides = array<i32>} : memref<64x128xf32, #tpu.memory_space<vmem>>, vector<1x16xf32>,
      %get3A_667 = vector.shape_cast %get3A_666 : vector<1x16xf32> to vector<16xf32>
      %swap3A_668 = arith.constant 0 : i32
      %swap3A_669 = arith.constant 0 : i32
      %swap3A_670 = tpu.memref_slice %arg8[%scan3A_387, %swap3A_668, %swap3A_669] : memref<4x64x128xf32, #tpu.memory_space<vmem>> -> memref<1x64x128xf32, #tpu.memory_space<vmem>>
      %swap3A_671 = tpu.memref_squeeze %swap3A_670 : memref<1x64x128xf32, #tpu.memory_space<vmem>> -> memref<64x128xf32, #tpu.memory_space<vmem>>
      %swap3A_672 = arith.index_cast %scan3A_600 : i32 to index
      %swap3A_673 = arith.constant 80 : index
      %swap3A_674 = tpu.vector_load %swap3A_671[%swap3A_672, %swap3A_673] {strides = array<i32>} : memref<64x128xf32, #tpu.memory_space<vmem>>, vector<1x16xf32>,
      %swap3A_675 = vector.shape_cast %swap3A_674 : vector<1x16xf32> to vector<16xf32>
      %swap3A_676 = vector.shape_cast %get3A_667 : vector<16xf32> to vector<1x16xf32>
      tpu.vector_store %swap3A_671[%swap3A_672, %swap3A_673], %swap3A_676 {add = true, strides = array<i32>} : memref<64x128xf32, #tpu.memory_space<vmem>>, vector<1x16xf32>,
      %get3A_677 = arith.index_cast %scan3A_600 : i32 to index
      %get3A_678 = arith.constant 96 : index
      %get3A_679 = tpu.vector_load %arg9[%get3A_677, %get3A_678] {strides = array<i32>} : memref<64x128xf32, #tpu.memory_space<vmem>>, vector<1x16xf32>,
      %get3A_680 = vector.shape_cast %get3A_679 : vector<1x16xf32> to vector<16xf32>
      %swap3A_681 = arith.constant 0 : i32
      %swap3A_682 = arith.constant 0 : i32
      %swap3A_683 = tpu.memref_slice %arg8[%scan3A_387, %swap3A_681, %swap3A_682] : memref<4x64x128xf32, #tpu.memory_space<vmem>> -> memref<1x64x128xf32, #tpu.memory_space<vmem>>
      %swap3A_684 = tpu.memref_squeeze %swap3A_683 : memref<1x64x128xf32, #tpu.memory_space<vmem>> -> memref<64x128xf32, #tpu.memory_space<vmem>>
      %swap3A_685 = arith.index_cast %scan3A_600 : i32 to index
      %swap3A_686 = arith.constant 96 : index
      %swap3A_687 = tpu.vector_load %swap3A_684[%swap3A_685, %swap3A_686] {strides = array<i32>} : memref<64x128xf32, #tpu.memory_space<vmem>>, vector<1x16xf32>,
      %swap3A_688 = vector.shape_cast %swap3A_687 : vector<1x16xf32> to vector<16xf32>
      %swap3A_689 = vector.shape_cast %get3A_680 : vector<16xf32> to vector<1x16xf32>
      tpu.vector_store %swap3A_684[%swap3A_685, %swap3A_686], %swap3A_689 {add = true, strides = array<i32>} : memref<64x128xf32, #tpu.memory_space<vmem>>, vector<1x16xf32>,
      %get3A_690 = arith.index_cast %scan3A_600 : i32 to index
      %get3A_691 = arith.constant 112 : index
      %get3A_692 = tpu.vector_load %arg9[%get3A_690, %get3A_691] {strides = array<i32>} : memref<64x128xf32, #tpu.memory_space<vmem>>, vector<1x16xf32>,
      %get3A_693 = vector.shape_cast %get3A_692 : vector<1x16xf32> to vector<16xf32>
      %swap3A_694 = arith.constant 0 : i32
      %swap3A_695 = arith.constant 0 : i32
      %swap3A_696 = tpu.memref_slice %arg8[%scan3A_387, %swap3A_694, %swap3A_695] : memref<4x64x128xf32, #tpu.memory_space<vmem>> -> memref<1x64x128xf32, #tpu.memory_space<vmem>>
      %swap3A_697 = tpu.memref_squeeze %swap3A_696 : memref<1x64x128xf32, #tpu.memory_space<vmem>> -> memref<64x128xf32, #tpu.memory_space<vmem>>
      %swap3A_698 = arith.index_cast %scan3A_600 : i32 to index
      %swap3A_699 = arith.constant 112 : index
      %swap3A_700 = tpu.vector_load %swap3A_697[%swap3A_698, %swap3A_699] {strides = array<i32>} : memref<64x128xf32, #tpu.memory_space<vmem>>, vector<1x16xf32>,
      %swap3A_701 = vector.shape_cast %swap3A_700 : vector<1x16xf32> to vector<16xf32>
      %swap3A_702 = vector.shape_cast %get3A_693 : vector<16xf32> to vector<1x16xf32>
      tpu.vector_store %swap3A_697[%swap3A_698, %swap3A_699], %swap3A_702 {add = true, strides = array<i32>} : memref<64x128xf32, #tpu.memory_space<vmem>>, vector<1x16xf32>,
    }
    %scan3A_392 = arith.constant 32 : i32
    %add3A_393 = arith.constant 8 : i32
    %add3A_394 = arith.addi %add3A_393, %mul3A_2 : i32
    %dma_start3A_395 = arith.constant 2 : i32
    %dma_start3A_396 = arith.constant 2 : i32
    %dma_start3A_397 = arith.constant 0 : i32
    %dma_start3A_398 = arith.constant 0 : i32
    %dma_start3A_399 = tpu.memref_slice %arg8[%dma_start3A_395, %dma_start3A_397, %dma_start3A_398] : memref<4x64x128xf32, #tpu.memory_space<vmem>> -> memref<1x64x128xf32, #tpu.memory_space<vmem>>
    %dma_start3A_400 = tpu.memref_squeeze %dma_start3A_399 : memref<1x64x128xf32, #tpu.memory_space<vmem>> -> memref<64x128xf32, #tpu.memory_space<vmem>>
    %dma_start3A_401 = arith.constant 0 : i32
    %dma_start3A_402 = tpu.memref_slice %arg6[%dma_start3A_396, %add3A_394, %dma_start3A_401] : memref<4x2056x128xf32, #tpu.memory_space<hbm>> -> memref<1x64x128xf32, #tpu.memory_space<hbm>>
    %dma_start3A_403 = tpu.memref_squeeze %dma_start3A_402 : memref<1x64x128xf32, #tpu.memory_space<hbm>> -> memref<64x128xf32, #tpu.memory_space<hbm>>
    %dma_start3A_404 = arith.constant 0 : i32
    %dma_start3A_405 = tpu.memref_slice %arg6[%dma_start3A_396, %add3A_394, %dma_start3A_404] : memref<4x2056x128xf32, #tpu.memory_space<hbm>> -> memref<1x64x128xf32, #tpu.memory_space<hbm>>
    %dma_start3A_406 = tpu.memref_squeeze %dma_start3A_405 : memref<1x64x128xf32, #tpu.memory_space<hbm>> -> memref<64x128xf32, #tpu.memory_space<hbm>>
    %dma_start3A_407 = arith.constant 0 : i32
    %dma_start3A_408 = arith.constant 0 : i32
    %dma_start3A_409 = tpu.memref_slice %arg8[%dma_start3A_395, %dma_start3A_407, %dma_start3A_408] : memref<4x64x128xf32, #tpu.memory_space<vmem>> -> memref<1x64x128xf32, #tpu.memory_space<vmem>>
    %dma_start3A_410 = tpu.memref_squeeze %dma_start3A_409 : memref<1x64x128xf32, #tpu.memory_space<vmem>> -> memref<64x128xf32, #tpu.memory_space<vmem>>
    tpu.enqueue_dma source(%dma_start3A_410 : memref<64x128xf32, #tpu.memory_space<vmem>>) target(%dma_start3A_406 : memref<64x128xf32, #tpu.memory_space<hbm>>) target_semaphore(%arg21 : memref<!tpu.dma_semaphore, #tpu.memory_space<semaphore_mem>>)
    %dma_wait3A_411 = arith.constant 3 : i32
    %dma_wait3A_412 = arith.constant 3 : i32
    %dma_wait3A_413 = arith.constant 0 : i32
    %dma_wait3A_414 = arith.constant 0 : i32
    %dma_wait3A_415 = tpu.memref_slice %arg8[%dma_wait3A_412, %dma_wait3A_413, %dma_wait3A_414] : memref<4x64x128xf32, #tpu.memory_space<vmem>> -> memref<1x64x128xf32, #tpu.memory_space<vmem>>
    %dma_wait3A_416 = tpu.memref_squeeze %dma_wait3A_415 : memref<1x64x128xf32, #tpu.memory_space<vmem>> -> memref<64x128xf32, #tpu.memory_space<vmem>>
    %dma_wait3A_417 = arith.constant 0 : i32
    %dma_wait3A_418 = arith.constant 0 : i32
    %dma_wait3A_419 = tpu.memref_slice %dma_wait3A_416[%dma_wait3A_417, %dma_wait3A_418] : memref<64x128xf32, #tpu.memory_space<vmem>> -> memref<32x128xf32, #tpu.memory_space<vmem>>
    %dma_wait3A_420 = arith.constant 0 : i32
    %dma_wait3A_421 = tpu.memref_slice %arg7[%dma_wait3A_411, %dma_wait3A_420] : memref<4x64xi32, #tpu.memory_space<vmem>> -> memref<1x32xi32, #tpu.memory_space<vmem>>
    %dma_wait3A_422 = tpu.memref_squeeze %dma_wait3A_421 : memref<1x32xi32, #tpu.memory_space<vmem>> -> memref<32xi32, #tpu.memory_space<vmem>>
    %dma_wait3A_423 = arith.constant 0 : i32
    %dma_wait3A_424 = arith.constant 0 : i32
    %dma_wait3A_425 = tpu.memref_slice %arg3[%dma_wait3A_423, %dma_wait3A_424] : memref<100000x128xf32, #tpu.memory_space<hbm>> -> memref<100000x128xf32, #tpu.memory_space<hbm>>
    tpu.wait_indirect_dma semaphore(%arg14 : memref<!tpu.dma_semaphore, #tpu.memory_space<semaphore_mem>>) src(%dma_wait3A_425 : memref<100000x128xf32, #tpu.memory_space<hbm>>) dst(%dma_wait3A_419 : memref<32x128xf32, #tpu.memory_space<vmem>>)
    %scan3A_426 = arith.constant 3 : i32
    %scan3A_427 = arith.constant 0 : i32
    %scan3A_428 = arith.constant 32 : i32
    %scan3A_429 = arith.addi %scan3A_427, %scan3A_428 : i32
    %scan3A_430 = arith.constant 1 : i32
    scf.for %scan3A_600 = %scan3A_427 to %scan3A_429 step %scan3A_430  : i32 {
      %get3A = arith.index_cast %scan3A_600 : i32 to index
      %get3A_601 = arith.constant 0 : index
      %get3A_602 = tpu.vector_load %arg9[%get3A, %get3A_601] {strides = array<i32>} : memref<64x128xf32, #tpu.memory_space<vmem>>, vector<1x16xf32>,
      %get3A_603 = vector.shape_cast %get3A_602 : vector<1x16xf32> to vector<16xf32>
      %swap3A = arith.constant 0 : i32
      %swap3A_604 = arith.constant 0 : i32
      %swap3A_605 = tpu.memref_slice %arg8[%scan3A_426, %swap3A, %swap3A_604] : memref<4x64x128xf32, #tpu.memory_space<vmem>> -> memref<1x64x128xf32, #tpu.memory_space<vmem>>
      %swap3A_606 = tpu.memref_squeeze %swap3A_605 : memref<1x64x128xf32, #tpu.memory_space<vmem>> -> memref<64x128xf32, #tpu.memory_space<vmem>>
      %swap3A_607 = arith.index_cast %scan3A_600 : i32 to index
      %swap3A_608 = arith.constant 0 : index
      %swap3A_609 = tpu.vector_load %swap3A_606[%swap3A_607, %swap3A_608] {strides = array<i32>} : memref<64x128xf32, #tpu.memory_space<vmem>>, vector<1x16xf32>,
      %swap3A_610 = vector.shape_cast %swap3A_609 : vector<1x16xf32> to vector<16xf32>
      %swap3A_611 = vector.shape_cast %get3A_603 : vector<16xf32> to vector<1x16xf32>
      tpu.vector_store %swap3A_606[%swap3A_607, %swap3A_608], %swap3A_611 {add = true, strides = array<i32>} : memref<64x128xf32, #tpu.memory_space<vmem>>, vector<1x16xf32>,
      %get3A_612 = arith.index_cast %scan3A_600 : i32 to index
      %get3A_613 = arith.constant 16 : index
      %get3A_614 = tpu.vector_load %arg9[%get3A_612, %get3A_613] {strides = array<i32>} : memref<64x128xf32, #tpu.memory_space<vmem>>, vector<1x16xf32>,
      %get3A_615 = vector.shape_cast %get3A_614 : vector<1x16xf32> to vector<16xf32>
      %swap3A_616 = arith.constant 0 : i32
      %swap3A_617 = arith.constant 0 : i32
      %swap3A_618 = tpu.memref_slice %arg8[%scan3A_426, %swap3A_616, %swap3A_617] : memref<4x64x128xf32, #tpu.memory_space<vmem>> -> memref<1x64x128xf32, #tpu.memory_space<vmem>>
      %swap3A_619 = tpu.memref_squeeze %swap3A_618 : memref<1x64x128xf32, #tpu.memory_space<vmem>> -> memref<64x128xf32, #tpu.memory_space<vmem>>
      %swap3A_620 = arith.index_cast %scan3A_600 : i32 to index
      %swap3A_621 = arith.constant 16 : index
      %swap3A_622 = tpu.vector_load %swap3A_619[%swap3A_620, %swap3A_621] {strides = array<i32>} : memref<64x128xf32, #tpu.memory_space<vmem>>, vector<1x16xf32>,
      %swap3A_623 = vector.shape_cast %swap3A_622 : vector<1x16xf32> to vector<16xf32>
      %swap3A_624 = vector.shape_cast %get3A_615 : vector<16xf32> to vector<1x16xf32>
      tpu.vector_store %swap3A_619[%swap3A_620, %swap3A_621], %swap3A_624 {add = true, strides = array<i32>} : memref<64x128xf32, #tpu.memory_space<vmem>>, vector<1x16xf32>,
      %get3A_625 = arith.index_cast %scan3A_600 : i32 to index
      %get3A_626 = arith.constant 32 : index
      %get3A_627 = tpu.vector_load %arg9[%get3A_625, %get3A_626] {strides = array<i32>} : memref<64x128xf32, #tpu.memory_space<vmem>>, vector<1x16xf32>,
      %get3A_628 = vector.shape_cast %get3A_627 : vector<1x16xf32> to vector<16xf32>
      %swap3A_629 = arith.constant 0 : i32
      %swap3A_630 = arith.constant 0 : i32
      %swap3A_631 = tpu.memref_slice %arg8[%scan3A_426, %swap3A_629, %swap3A_630] : memref<4x64x128xf32, #tpu.memory_space<vmem>> -> memref<1x64x128xf32, #tpu.memory_space<vmem>>
      %swap3A_632 = tpu.memref_squeeze %swap3A_631 : memref<1x64x128xf32, #tpu.memory_space<vmem>> -> memref<64x128xf32, #tpu.memory_space<vmem>>
      %swap3A_633 = arith.index_cast %scan3A_600 : i32 to index
      %swap3A_634 = arith.constant 32 : index
      %swap3A_635 = tpu.vector_load %swap3A_632[%swap3A_633, %swap3A_634] {strides = array<i32>} : memref<64x128xf32, #tpu.memory_space<vmem>>, vector<1x16xf32>,
      %swap3A_636 = vector.shape_cast %swap3A_635 : vector<1x16xf32> to vector<16xf32>
      %swap3A_637 = vector.shape_cast %get3A_628 : vector<16xf32> to vector<1x16xf32>
      tpu.vector_store %swap3A_632[%swap3A_633, %swap3A_634], %swap3A_637 {add = true, strides = array<i32>} : memref<64x128xf32, #tpu.memory_space<vmem>>, vector<1x16xf32>,
      %get3A_638 = arith.index_cast %scan3A_600 : i32 to index
      %get3A_639 = arith.constant 48 : index
      %get3A_640 = tpu.vector_load %arg9[%get3A_638, %get3A_639] {strides = array<i32>} : memref<64x128xf32, #tpu.memory_space<vmem>>, vector<1x16xf32>,
      %get3A_641 = vector.shape_cast %get3A_640 : vector<1x16xf32> to vector<16xf32>
      %swap3A_642 = arith.constant 0 : i32
      %swap3A_643 = arith.constant 0 : i32
      %swap3A_644 = tpu.memref_slice %arg8[%scan3A_426, %swap3A_642, %swap3A_643] : memref<4x64x128xf32, #tpu.memory_space<vmem>> -> memref<1x64x128xf32, #tpu.memory_space<vmem>>
      %swap3A_645 = tpu.memref_squeeze %swap3A_644 : memref<1x64x128xf32, #tpu.memory_space<vmem>> -> memref<64x128xf32, #tpu.memory_space<vmem>>
      %swap3A_646 = arith.index_cast %scan3A_600 : i32 to index
      %swap3A_647 = arith.constant 48 : index
      %swap3A_648 = tpu.vector_load %swap3A_645[%swap3A_646, %swap3A_647] {strides = array<i32>} : memref<64x128xf32, #tpu.memory_space<vmem>>, vector<1x16xf32>,
      %swap3A_649 = vector.shape_cast %swap3A_648 : vector<1x16xf32> to vector<16xf32>
      %swap3A_650 = vector.shape_cast %get3A_641 : vector<16xf32> to vector<1x16xf32>
      tpu.vector_store %swap3A_645[%swap3A_646, %swap3A_647], %swap3A_650 {add = true, strides = array<i32>} : memref<64x128xf32, #tpu.memory_space<vmem>>, vector<1x16xf32>,
      %get3A_651 = arith.index_cast %scan3A_600 : i32 to index
      %get3A_652 = arith.constant 64 : index
      %get3A_653 = tpu.vector_load %arg9[%get3A_651, %get3A_652] {strides = array<i32>} : memref<64x128xf32, #tpu.memory_space<vmem>>, vector<1x16xf32>,
      %get3A_654 = vector.shape_cast %get3A_653 : vector<1x16xf32> to vector<16xf32>
      %swap3A_655 = arith.constant 0 : i32
      %swap3A_656 = arith.constant 0 : i32
      %swap3A_657 = tpu.memref_slice %arg8[%scan3A_426, %swap3A_655, %swap3A_656] : memref<4x64x128xf32, #tpu.memory_space<vmem>> -> memref<1x64x128xf32, #tpu.memory_space<vmem>>
      %swap3A_658 = tpu.memref_squeeze %swap3A_657 : memref<1x64x128xf32, #tpu.memory_space<vmem>> -> memref<64x128xf32, #tpu.memory_space<vmem>>
      %swap3A_659 = arith.index_cast %scan3A_600 : i32 to index
      %swap3A_660 = arith.constant 64 : index
      %swap3A_661 = tpu.vector_load %swap3A_658[%swap3A_659, %swap3A_660] {strides = array<i32>} : memref<64x128xf32, #tpu.memory_space<vmem>>, vector<1x16xf32>,
      %swap3A_662 = vector.shape_cast %swap3A_661 : vector<1x16xf32> to vector<16xf32>
      %swap3A_663 = vector.shape_cast %get3A_654 : vector<16xf32> to vector<1x16xf32>
      tpu.vector_store %swap3A_658[%swap3A_659, %swap3A_660], %swap3A_663 {add = true, strides = array<i32>} : memref<64x128xf32, #tpu.memory_space<vmem>>, vector<1x16xf32>,
      %get3A_664 = arith.index_cast %scan3A_600 : i32 to index
      %get3A_665 = arith.constant 80 : index
      %get3A_666 = tpu.vector_load %arg9[%get3A_664, %get3A_665] {strides = array<i32>} : memref<64x128xf32, #tpu.memory_space<vmem>>, vector<1x16xf32>,
      %get3A_667 = vector.shape_cast %get3A_666 : vector<1x16xf32> to vector<16xf32>
      %swap3A_668 = arith.constant 0 : i32
      %swap3A_669 = arith.constant 0 : i32
      %swap3A_670 = tpu.memref_slice %arg8[%scan3A_426, %swap3A_668, %swap3A_669] : memref<4x64x128xf32, #tpu.memory_space<vmem>> -> memref<1x64x128xf32, #tpu.memory_space<vmem>>
      %swap3A_671 = tpu.memref_squeeze %swap3A_670 : memref<1x64x128xf32, #tpu.memory_space<vmem>> -> memref<64x128xf32, #tpu.memory_space<vmem>>
      %swap3A_672 = arith.index_cast %scan3A_600 : i32 to index
      %swap3A_673 = arith.constant 80 : index
      %swap3A_674 = tpu.vector_load %swap3A_671[%swap3A_672, %swap3A_673] {strides = array<i32>} : memref<64x128xf32, #tpu.memory_space<vmem>>, vector<1x16xf32>,
      %swap3A_675 = vector.shape_cast %swap3A_674 : vector<1x16xf32> to vector<16xf32>
      %swap3A_676 = vector.shape_cast %get3A_667 : vector<16xf32> to vector<1x16xf32>
      tpu.vector_store %swap3A_671[%swap3A_672, %swap3A_673], %swap3A_676 {add = true, strides = array<i32>} : memref<64x128xf32, #tpu.memory_space<vmem>>, vector<1x16xf32>,
      %get3A_677 = arith.index_cast %scan3A_600 : i32 to index
      %get3A_678 = arith.constant 96 : index
      %get3A_679 = tpu.vector_load %arg9[%get3A_677, %get3A_678] {strides = array<i32>} : memref<64x128xf32, #tpu.memory_space<vmem>>, vector<1x16xf32>,
      %get3A_680 = vector.shape_cast %get3A_679 : vector<1x16xf32> to vector<16xf32>
      %swap3A_681 = arith.constant 0 : i32
      %swap3A_682 = arith.constant 0 : i32
      %swap3A_683 = tpu.memref_slice %arg8[%scan3A_426, %swap3A_681, %swap3A_682] : memref<4x64x128xf32, #tpu.memory_space<vmem>> -> memref<1x64x128xf32, #tpu.memory_space<vmem>>
      %swap3A_684 = tpu.memref_squeeze %swap3A_683 : memref<1x64x128xf32, #tpu.memory_space<vmem>> -> memref<64x128xf32, #tpu.memory_space<vmem>>
      %swap3A_685 = arith.index_cast %scan3A_600 : i32 to index
      %swap3A_686 = arith.constant 96 : index
      %swap3A_687 = tpu.vector_load %swap3A_684[%swap3A_685, %swap3A_686] {strides = array<i32>} : memref<64x128xf32, #tpu.memory_space<vmem>>, vector<1x16xf32>,
      %swap3A_688 = vector.shape_cast %swap3A_687 : vector<1x16xf32> to vector<16xf32>
      %swap3A_689 = vector.shape_cast %get3A_680 : vector<16xf32> to vector<1x16xf32>
      tpu.vector_store %swap3A_684[%swap3A_685, %swap3A_686], %swap3A_689 {add = true, strides = array<i32>} : memref<64x128xf32, #tpu.memory_space<vmem>>, vector<1x16xf32>,
      %get3A_690 = arith.index_cast %scan3A_600 : i32 to index
      %get3A_691 = arith.constant 112 : index
      %get3A_692 = tpu.vector_load %arg9[%get3A_690, %get3A_691] {strides = array<i32>} : memref<64x128xf32, #tpu.memory_space<vmem>>, vector<1x16xf32>,
      %get3A_693 = vector.shape_cast %get3A_692 : vector<1x16xf32> to vector<16xf32>
      %swap3A_694 = arith.constant 0 : i32
      %swap3A_695 = arith.constant 0 : i32
      %swap3A_696 = tpu.memref_slice %arg8[%scan3A_426, %swap3A_694, %swap3A_695] : memref<4x64x128xf32, #tpu.memory_space<vmem>> -> memref<1x64x128xf32, #tpu.memory_space<vmem>>
      %swap3A_697 = tpu.memref_squeeze %swap3A_696 : memref<1x64x128xf32, #tpu.memory_space<vmem>> -> memref<64x128xf32, #tpu.memory_space<vmem>>
      %swap3A_698 = arith.index_cast %scan3A_600 : i32 to index
      %swap3A_699 = arith.constant 112 : index
      %swap3A_700 = tpu.vector_load %swap3A_697[%swap3A_698, %swap3A_699] {strides = array<i32>} : memref<64x128xf32, #tpu.memory_space<vmem>>, vector<1x16xf32>,
      %swap3A_701 = vector.shape_cast %swap3A_700 : vector<1x16xf32> to vector<16xf32>
      %swap3A_702 = vector.shape_cast %get3A_693 : vector<16xf32> to vector<1x16xf32>
      tpu.vector_store %swap3A_697[%swap3A_698, %swap3A_699], %swap3A_702 {add = true, strides = array<i32>} : memref<64x128xf32, #tpu.memory_space<vmem>>, vector<1x16xf32>,
    }
    %scan3A_431 = arith.constant 32 : i32
    %add3A_432 = arith.constant 8 : i32
    %add3A_433 = arith.addi %add3A_432, %mul3A_2 : i32
    %dma_start3A_434 = arith.constant 3 : i32
    %dma_start3A_435 = arith.constant 3 : i32
    %dma_start3A_436 = arith.constant 0 : i32
    %dma_start3A_437 = arith.constant 0 : i32
    %dma_start3A_438 = tpu.memref_slice %arg8[%dma_start3A_434, %dma_start3A_436, %dma_start3A_437] : memref<4x64x128xf32, #tpu.memory_space<vmem>> -> memref<1x64x128xf32, #tpu.memory_space<vmem>>
    %dma_start3A_439 = tpu.memref_squeeze %dma_start3A_438 : memref<1x64x128xf32, #tpu.memory_space<vmem>> -> memref<64x128xf32, #tpu.memory_space<vmem>>
    %dma_start3A_440 = arith.constant 0 : i32
    %dma_start3A_441 = arith.constant 0 : i32
    %dma_start3A_442 = tpu.memref_slice %dma_start3A_439[%dma_start3A_440, %dma_start3A_441] : memref<64x128xf32, #tpu.memory_space<vmem>> -> memref<32x128xf32, #tpu.memory_space<vmem>>
    %dma_start3A_443 = arith.constant 0 : i32
    %dma_start3A_444 = tpu.memref_slice %arg6[%dma_start3A_435, %add3A_433, %dma_start3A_443] : memref<4x2056x128xf32, #tpu.memory_space<hbm>> -> memref<1x32x128xf32, #tpu.memory_space<hbm>>
    %dma_start3A_445 = tpu.memref_squeeze %dma_start3A_444 : memref<1x32x128xf32, #tpu.memory_space<hbm>> -> memref<32x128xf32, #tpu.memory_space<hbm>>
    %dma_start3A_446 = arith.constant 0 : i32
    %dma_start3A_447 = tpu.memref_slice %arg6[%dma_start3A_435, %add3A_433, %dma_start3A_446] : memref<4x2056x128xf32, #tpu.memory_space<hbm>> -> memref<1x32x128xf32, #tpu.memory_space<hbm>>
    %dma_start3A_448 = tpu.memref_squeeze %dma_start3A_447 : memref<1x32x128xf32, #tpu.memory_space<hbm>> -> memref<32x128xf32, #tpu.memory_space<hbm>>
    %dma_start3A_449 = arith.constant 0 : i32
    %dma_start3A_450 = arith.constant 0 : i32
    %dma_start3A_451 = tpu.memref_slice %arg8[%dma_start3A_434, %dma_start3A_449, %dma_start3A_450] : memref<4x64x128xf32, #tpu.memory_space<vmem>> -> memref<1x64x128xf32, #tpu.memory_space<vmem>>
    %dma_start3A_452 = tpu.memref_squeeze %dma_start3A_451 : memref<1x64x128xf32, #tpu.memory_space<vmem>> -> memref<64x128xf32, #tpu.memory_space<vmem>>
    %dma_start3A_453 = arith.constant 0 : i32
    %dma_start3A_454 = arith.constant 0 : i32
    %dma_start3A_455 = tpu.memref_slice %dma_start3A_452[%dma_start3A_453, %dma_start3A_454] : memref<64x128xf32, #tpu.memory_space<vmem>> -> memref<32x128xf32, #tpu.memory_space<vmem>>
    tpu.enqueue_dma source(%dma_start3A_455 : memref<32x128xf32, #tpu.memory_space<vmem>>) target(%dma_start3A_448 : memref<32x128xf32, #tpu.memory_space<hbm>>) target_semaphore(%arg21 : memref<!tpu.dma_semaphore, #tpu.memory_space<semaphore_mem>>)
    %dma_wait3A_456 = arith.constant 3 : i32
    %dma_wait3A_457 = arith.constant 3 : i32
    %dma_wait3A_458 = arith.constant 0 : i32
    %dma_wait3A_459 = arith.constant 0 : i32
    %dma_wait3A_460 = tpu.memref_slice %arg8[%dma_wait3A_457, %dma_wait3A_458, %dma_wait3A_459] : memref<4x64x128xf32, #tpu.memory_space<vmem>> -> memref<1x64x128xf32, #tpu.memory_space<vmem>>
    %dma_wait3A_461 = tpu.memref_squeeze %dma_wait3A_460 : memref<1x64x128xf32, #tpu.memory_space<vmem>> -> memref<64x128xf32, #tpu.memory_space<vmem>>
    %dma_wait3A_462 = arith.constant 32 : i32
    %dma_wait3A_463 = arith.constant 0 : i32
    %dma_wait3A_464 = tpu.memref_slice %dma_wait3A_461[%dma_wait3A_462, %dma_wait3A_463] : memref<64x128xf32, #tpu.memory_space<vmem>> -> memref<32x128xf32, #tpu.memory_space<vmem>>
    %dma_wait3A_465 = arith.constant 32 : i32
    %dma_wait3A_466 = tpu.memref_slice %arg7[%dma_wait3A_456, %dma_wait3A_465] : memref<4x64xi32, #tpu.memory_space<vmem>> -> memref<1x32xi32, #tpu.memory_space<vmem>>
    %dma_wait3A_467 = tpu.memref_squeeze %dma_wait3A_466 : memref<1x32xi32, #tpu.memory_space<vmem>> -> memref<32xi32, #tpu.memory_space<vmem>>
    %dma_wait3A_468 = arith.constant 0 : i32
    %dma_wait3A_469 = arith.constant 0 : i32
    %dma_wait3A_470 = tpu.memref_slice %arg3[%dma_wait3A_468, %dma_wait3A_469] : memref<100000x128xf32, #tpu.memory_space<hbm>> -> memref<100000x128xf32, #tpu.memory_space<hbm>>
    tpu.wait_indirect_dma semaphore(%arg18 : memref<!tpu.dma_semaphore, #tpu.memory_space<semaphore_mem>>) src(%dma_wait3A_470 : memref<100000x128xf32, #tpu.memory_space<hbm>>) dst(%dma_wait3A_464 : memref<32x128xf32, #tpu.memory_space<vmem>>)
    %scan3A_471 = arith.constant 3 : i32
    %scan3A_472 = arith.constant 32 : i32
    %scan3A_473 = arith.constant 32 : i32
    %scan3A_474 = arith.addi %scan3A_472, %scan3A_473 : i32
    %scan3A_475 = arith.constant 1 : i32
    scf.for %scan3A_600 = %scan3A_472 to %scan3A_474 step %scan3A_475  : i32 {
      %get3A = arith.index_cast %scan3A_600 : i32 to index
      %get3A_601 = arith.constant 0 : index
      %get3A_602 = tpu.vector_load %arg9[%get3A, %get3A_601] {strides = array<i32>} : memref<64x128xf32, #tpu.memory_space<vmem>>, vector<1x16xf32>,
      %get3A_603 = vector.shape_cast %get3A_602 : vector<1x16xf32> to vector<16xf32>
      %swap3A = arith.constant 0 : i32
      %swap3A_604 = arith.constant 0 : i32
      %swap3A_605 = tpu.memref_slice %arg8[%scan3A_471, %swap3A, %swap3A_604] : memref<4x64x128xf32, #tpu.memory_space<vmem>> -> memref<1x64x128xf32, #tpu.memory_space<vmem>>
      %swap3A_606 = tpu.memref_squeeze %swap3A_605 : memref<1x64x128xf32, #tpu.memory_space<vmem>> -> memref<64x128xf32, #tpu.memory_space<vmem>>
      %swap3A_607 = arith.index_cast %scan3A_600 : i32 to index
      %swap3A_608 = arith.constant 0 : index
      %swap3A_609 = tpu.vector_load %swap3A_606[%swap3A_607, %swap3A_608] {strides = array<i32>} : memref<64x128xf32, #tpu.memory_space<vmem>>, vector<1x16xf32>,
      %swap3A_610 = vector.shape_cast %swap3A_609 : vector<1x16xf32> to vector<16xf32>
      %swap3A_611 = vector.shape_cast %get3A_603 : vector<16xf32> to vector<1x16xf32>
      tpu.vector_store %swap3A_606[%swap3A_607, %swap3A_608], %swap3A_611 {add = true, strides = array<i32>} : memref<64x128xf32, #tpu.memory_space<vmem>>, vector<1x16xf32>,
      %get3A_612 = arith.index_cast %scan3A_600 : i32 to index
      %get3A_613 = arith.constant 16 : index
      %get3A_614 = tpu.vector_load %arg9[%get3A_612, %get3A_613] {strides = array<i32>} : memref<64x128xf32, #tpu.memory_space<vmem>>, vector<1x16xf32>,
      %get3A_615 = vector.shape_cast %get3A_614 : vector<1x16xf32> to vector<16xf32>
      %swap3A_616 = arith.constant 0 : i32
      %swap3A_617 = arith.constant 0 : i32
      %swap3A_618 = tpu.memref_slice %arg8[%scan3A_471, %swap3A_616, %swap3A_617] : memref<4x64x128xf32, #tpu.memory_space<vmem>> -> memref<1x64x128xf32, #tpu.memory_space<vmem>>
      %swap3A_619 = tpu.memref_squeeze %swap3A_618 : memref<1x64x128xf32, #tpu.memory_space<vmem>> -> memref<64x128xf32, #tpu.memory_space<vmem>>
      %swap3A_620 = arith.index_cast %scan3A_600 : i32 to index
      %swap3A_621 = arith.constant 16 : index
      %swap3A_622 = tpu.vector_load %swap3A_619[%swap3A_620, %swap3A_621] {strides = array<i32>} : memref<64x128xf32, #tpu.memory_space<vmem>>, vector<1x16xf32>,
      %swap3A_623 = vector.shape_cast %swap3A_622 : vector<1x16xf32> to vector<16xf32>
      %swap3A_624 = vector.shape_cast %get3A_615 : vector<16xf32> to vector<1x16xf32>
      tpu.vector_store %swap3A_619[%swap3A_620, %swap3A_621], %swap3A_624 {add = true, strides = array<i32>} : memref<64x128xf32, #tpu.memory_space<vmem>>, vector<1x16xf32>,
      %get3A_625 = arith.index_cast %scan3A_600 : i32 to index
      %get3A_626 = arith.constant 32 : index
      %get3A_627 = tpu.vector_load %arg9[%get3A_625, %get3A_626] {strides = array<i32>} : memref<64x128xf32, #tpu.memory_space<vmem>>, vector<1x16xf32>,
      %get3A_628 = vector.shape_cast %get3A_627 : vector<1x16xf32> to vector<16xf32>
      %swap3A_629 = arith.constant 0 : i32
      %swap3A_630 = arith.constant 0 : i32
      %swap3A_631 = tpu.memref_slice %arg8[%scan3A_471, %swap3A_629, %swap3A_630] : memref<4x64x128xf32, #tpu.memory_space<vmem>> -> memref<1x64x128xf32, #tpu.memory_space<vmem>>
      %swap3A_632 = tpu.memref_squeeze %swap3A_631 : memref<1x64x128xf32, #tpu.memory_space<vmem>> -> memref<64x128xf32, #tpu.memory_space<vmem>>
      %swap3A_633 = arith.index_cast %scan3A_600 : i32 to index
      %swap3A_634 = arith.constant 32 : index
      %swap3A_635 = tpu.vector_load %swap3A_632[%swap3A_633, %swap3A_634] {strides = array<i32>} : memref<64x128xf32, #tpu.memory_space<vmem>>, vector<1x16xf32>,
      %swap3A_636 = vector.shape_cast %swap3A_635 : vector<1x16xf32> to vector<16xf32>
      %swap3A_637 = vector.shape_cast %get3A_628 : vector<16xf32> to vector<1x16xf32>
      tpu.vector_store %swap3A_632[%swap3A_633, %swap3A_634], %swap3A_637 {add = true, strides = array<i32>} : memref<64x128xf32, #tpu.memory_space<vmem>>, vector<1x16xf32>,
      %get3A_638 = arith.index_cast %scan3A_600 : i32 to index
      %get3A_639 = arith.constant 48 : index
      %get3A_640 = tpu.vector_load %arg9[%get3A_638, %get3A_639] {strides = array<i32>} : memref<64x128xf32, #tpu.memory_space<vmem>>, vector<1x16xf32>,
      %get3A_641 = vector.shape_cast %get3A_640 : vector<1x16xf32> to vector<16xf32>
      %swap3A_642 = arith.constant 0 : i32
      %swap3A_643 = arith.constant 0 : i32
      %swap3A_644 = tpu.memref_slice %arg8[%scan3A_471, %swap3A_642, %swap3A_643] : memref<4x64x128xf32, #tpu.memory_space<vmem>> -> memref<1x64x128xf32, #tpu.memory_space<vmem>>
      %swap3A_645 = tpu.memref_squeeze %swap3A_644 : memref<1x64x128xf32, #tpu.memory_space<vmem>> -> memref<64x128xf32, #tpu.memory_space<vmem>>
      %swap3A_646 = arith.index_cast %scan3A_600 : i32 to index
      %swap3A_647 = arith.constant 48 : index
      %swap3A_648 = tpu.vector_load %swap3A_645[%swap3A_646, %swap3A_647] {strides = array<i32>} : memref<64x128xf32, #tpu.memory_space<vmem>>, vector<1x16xf32>,
      %swap3A_649 = vector.shape_cast %swap3A_648 : vector<1x16xf32> to vector<16xf32>
      %swap3A_650 = vector.shape_cast %get3A_641 : vector<16xf32> to vector<1x16xf32>
      tpu.vector_store %swap3A_645[%swap3A_646, %swap3A_647], %swap3A_650 {add = true, strides = array<i32>} : memref<64x128xf32, #tpu.memory_space<vmem>>, vector<1x16xf32>,
      %get3A_651 = arith.index_cast %scan3A_600 : i32 to index
      %get3A_652 = arith.constant 64 : index
      %get3A_653 = tpu.vector_load %arg9[%get3A_651, %get3A_652] {strides = array<i32>} : memref<64x128xf32, #tpu.memory_space<vmem>>, vector<1x16xf32>,
      %get3A_654 = vector.shape_cast %get3A_653 : vector<1x16xf32> to vector<16xf32>
      %swap3A_655 = arith.constant 0 : i32
      %swap3A_656 = arith.constant 0 : i32
      %swap3A_657 = tpu.memref_slice %arg8[%scan3A_471, %swap3A_655, %swap3A_656] : memref<4x64x128xf32, #tpu.memory_space<vmem>> -> memref<1x64x128xf32, #tpu.memory_space<vmem>>
      %swap3A_658 = tpu.memref_squeeze %swap3A_657 : memref<1x64x128xf32, #tpu.memory_space<vmem>> -> memref<64x128xf32, #tpu.memory_space<vmem>>
      %swap3A_659 = arith.index_cast %scan3A_600 : i32 to index
      %swap3A_660 = arith.constant 64 : index
      %swap3A_661 = tpu.vector_load %swap3A_658[%swap3A_659, %swap3A_660] {strides = array<i32>} : memref<64x128xf32, #tpu.memory_space<vmem>>, vector<1x16xf32>,
      %swap3A_662 = vector.shape_cast %swap3A_661 : vector<1x16xf32> to vector<16xf32>
      %swap3A_663 = vector.shape_cast %get3A_654 : vector<16xf32> to vector<1x16xf32>
      tpu.vector_store %swap3A_658[%swap3A_659, %swap3A_660], %swap3A_663 {add = true, strides = array<i32>} : memref<64x128xf32, #tpu.memory_space<vmem>>, vector<1x16xf32>,
      %get3A_664 = arith.index_cast %scan3A_600 : i32 to index
      %get3A_665 = arith.constant 80 : index
      %get3A_666 = tpu.vector_load %arg9[%get3A_664, %get3A_665] {strides = array<i32>} : memref<64x128xf32, #tpu.memory_space<vmem>>, vector<1x16xf32>,
      %get3A_667 = vector.shape_cast %get3A_666 : vector<1x16xf32> to vector<16xf32>
      %swap3A_668 = arith.constant 0 : i32
      %swap3A_669 = arith.constant 0 : i32
      %swap3A_670 = tpu.memref_slice %arg8[%scan3A_471, %swap3A_668, %swap3A_669] : memref<4x64x128xf32, #tpu.memory_space<vmem>> -> memref<1x64x128xf32, #tpu.memory_space<vmem>>
      %swap3A_671 = tpu.memref_squeeze %swap3A_670 : memref<1x64x128xf32, #tpu.memory_space<vmem>> -> memref<64x128xf32, #tpu.memory_space<vmem>>
      %swap3A_672 = arith.index_cast %scan3A_600 : i32 to index
      %swap3A_673 = arith.constant 80 : index
      %swap3A_674 = tpu.vector_load %swap3A_671[%swap3A_672, %swap3A_673] {strides = array<i32>} : memref<64x128xf32, #tpu.memory_space<vmem>>, vector<1x16xf32>,
      %swap3A_675 = vector.shape_cast %swap3A_674 : vector<1x16xf32> to vector<16xf32>
      %swap3A_676 = vector.shape_cast %get3A_667 : vector<16xf32> to vector<1x16xf32>
      tpu.vector_store %swap3A_671[%swap3A_672, %swap3A_673], %swap3A_676 {add = true, strides = array<i32>} : memref<64x128xf32, #tpu.memory_space<vmem>>, vector<1x16xf32>,
      %get3A_677 = arith.index_cast %scan3A_600 : i32 to index
      %get3A_678 = arith.constant 96 : index
      %get3A_679 = tpu.vector_load %arg9[%get3A_677, %get3A_678] {strides = array<i32>} : memref<64x128xf32, #tpu.memory_space<vmem>>, vector<1x16xf32>,
      %get3A_680 = vector.shape_cast %get3A_679 : vector<1x16xf32> to vector<16xf32>
      %swap3A_681 = arith.constant 0 : i32
      %swap3A_682 = arith.constant 0 : i32
      %swap3A_683 = tpu.memref_slice %arg8[%scan3A_471, %swap3A_681, %swap3A_682] : memref<4x64x128xf32, #tpu.memory_space<vmem>> -> memref<1x64x128xf32, #tpu.memory_space<vmem>>
      %swap3A_684 = tpu.memref_squeeze %swap3A_683 : memref<1x64x128xf32, #tpu.memory_space<vmem>> -> memref<64x128xf32, #tpu.memory_space<vmem>>
      %swap3A_685 = arith.index_cast %scan3A_600 : i32 to index
      %swap3A_686 = arith.constant 96 : index
      %swap3A_687 = tpu.vector_load %swap3A_684[%swap3A_685, %swap3A_686] {strides = array<i32>} : memref<64x128xf32, #tpu.memory_space<vmem>>, vector<1x16xf32>,
      %swap3A_688 = vector.shape_cast %swap3A_687 : vector<1x16xf32> to vector<16xf32>
      %swap3A_689 = vector.shape_cast %get3A_680 : vector<16xf32> to vector<1x16xf32>
      tpu.vector_store %swap3A_684[%swap3A_685, %swap3A_686], %swap3A_689 {add = true, strides = array<i32>} : memref<64x128xf32, #tpu.memory_space<vmem>>, vector<1x16xf32>,
      %get3A_690 = arith.index_cast %scan3A_600 : i32 to index
      %get3A_691 = arith.constant 112 : index
      %get3A_692 = tpu.vector_load %arg9[%get3A_690, %get3A_691] {strides = array<i32>} : memref<64x128xf32, #tpu.memory_space<vmem>>, vector<1x16xf32>,
      %get3A_693 = vector.shape_cast %get3A_692 : vector<1x16xf32> to vector<16xf32>
      %swap3A_694 = arith.constant 0 : i32
      %swap3A_695 = arith.constant 0 : i32
      %swap3A_696 = tpu.memref_slice %arg8[%scan3A_471, %swap3A_694, %swap3A_695] : memref<4x64x128xf32, #tpu.memory_space<vmem>> -> memref<1x64x128xf32, #tpu.memory_space<vmem>>
      %swap3A_697 = tpu.memref_squeeze %swap3A_696 : memref<1x64x128xf32, #tpu.memory_space<vmem>> -> memref<64x128xf32, #tpu.memory_space<vmem>>
      %swap3A_698 = arith.index_cast %scan3A_600 : i32 to index
      %swap3A_699 = arith.constant 112 : index
      %swap3A_700 = tpu.vector_load %swap3A_697[%swap3A_698, %swap3A_699] {strides = array<i32>} : memref<64x128xf32, #tpu.memory_space<vmem>>, vector<1x16xf32>,
      %swap3A_701 = vector.shape_cast %swap3A_700 : vector<1x16xf32> to vector<16xf32>
      %swap3A_702 = vector.shape_cast %get3A_693 : vector<16xf32> to vector<1x16xf32>
      tpu.vector_store %swap3A_697[%swap3A_698, %swap3A_699], %swap3A_702 {add = true, strides = array<i32>} : memref<64x128xf32, #tpu.memory_space<vmem>>, vector<1x16xf32>,
    }
    %scan3A_476 = arith.constant 32 : i32
    %add3A_477 = arith.constant 8 : i32
    %add3A_478 = arith.addi %add3A_477, %mul3A_2 : i32
    %add3A_479 = arith.constant 32 : i32
    %add3A_480 = arith.addi %add3A_478, %add3A_479 : i32
    %dma_start3A_481 = arith.constant 3 : i32
    %dma_start3A_482 = arith.constant 3 : i32
    %dma_start3A_483 = arith.constant 0 : i32
    %dma_start3A_484 = arith.constant 0 : i32
    %dma_start3A_485 = tpu.memref_slice %arg8[%dma_start3A_481, %dma_start3A_483, %dma_start3A_484] : memref<4x64x128xf32, #tpu.memory_space<vmem>> -> memref<1x64x128xf32, #tpu.memory_space<vmem>>
    %dma_start3A_486 = tpu.memref_squeeze %dma_start3A_485 : memref<1x64x128xf32, #tpu.memory_space<vmem>> -> memref<64x128xf32, #tpu.memory_space<vmem>>
    %dma_start3A_487 = arith.constant 32 : i32
    %dma_start3A_488 = arith.constant 0 : i32
    %dma_start3A_489 = tpu.memref_slice %dma_start3A_486[%dma_start3A_487, %dma_start3A_488] : memref<64x128xf32, #tpu.memory_space<vmem>> -> memref<32x128xf32, #tpu.memory_space<vmem>>
    %dma_start3A_490 = arith.constant 0 : i32
    %dma_start3A_491 = tpu.memref_slice %arg6[%dma_start3A_482, %add3A_480, %dma_start3A_490] : memref<4x2056x128xf32, #tpu.memory_space<hbm>> -> memref<1x32x128xf32, #tpu.memory_space<hbm>>
    %dma_start3A_492 = tpu.memref_squeeze %dma_start3A_491 : memref<1x32x128xf32, #tpu.memory_space<hbm>> -> memref<32x128xf32, #tpu.memory_space<hbm>>
    %dma_start3A_493 = arith.constant 0 : i32
    %dma_start3A_494 = tpu.memref_slice %arg6[%dma_start3A_482, %add3A_480, %dma_start3A_493] : memref<4x2056x128xf32, #tpu.memory_space<hbm>> -> memref<1x32x128xf32, #tpu.memory_space<hbm>>
    %dma_start3A_495 = tpu.memref_squeeze %dma_start3A_494 : memref<1x32x128xf32, #tpu.memory_space<hbm>> -> memref<32x128xf32, #tpu.memory_space<hbm>>
    %dma_start3A_496 = arith.constant 0 : i32
    %dma_start3A_497 = arith.constant 0 : i32
    %dma_start3A_498 = tpu.memref_slice %arg8[%dma_start3A_481, %dma_start3A_496, %dma_start3A_497] : memref<4x64x128xf32, #tpu.memory_space<vmem>> -> memref<1x64x128xf32, #tpu.memory_space<vmem>>
    %dma_start3A_499 = tpu.memref_squeeze %dma_start3A_498 : memref<1x64x128xf32, #tpu.memory_space<vmem>> -> memref<64x128xf32, #tpu.memory_space<vmem>>
    %dma_start3A_500 = arith.constant 32 : i32
    %dma_start3A_501 = arith.constant 0 : i32
    %dma_start3A_502 = tpu.memref_slice %dma_start3A_499[%dma_start3A_500, %dma_start3A_501] : memref<64x128xf32, #tpu.memory_space<vmem>> -> memref<32x128xf32, #tpu.memory_space<vmem>>
    tpu.enqueue_dma source(%dma_start3A_502 : memref<32x128xf32, #tpu.memory_space<vmem>>) target(%dma_start3A_495 : memref<32x128xf32, #tpu.memory_space<hbm>>) target_semaphore(%arg21 : memref<!tpu.dma_semaphore, #tpu.memory_space<semaphore_mem>>)
    %dma_wait3A_503 = arith.constant 0 : i32
    %dma_wait3A_504 = arith.constant 0 : i32
    %dma_wait3A_505 = arith.constant 0 : i32
    %dma_wait3A_506 = arith.constant 0 : i32
    %dma_wait3A_507 = tpu.memref_slice %arg8[%dma_wait3A_503, %dma_wait3A_505, %dma_wait3A_506] : memref<4x64x128xf32, #tpu.memory_space<vmem>> -> memref<1x64x128xf32, #tpu.memory_space<vmem>>
    %dma_wait3A_508 = tpu.memref_squeeze %dma_wait3A_507 : memref<1x64x128xf32, #tpu.memory_space<vmem>> -> memref<64x128xf32, #tpu.memory_space<vmem>>
    %dma_wait3A_509 = arith.constant 0 : i32
    %dma_wait3A_510 = tpu.memref_slice %arg6[%dma_wait3A_504, %add3A_274, %dma_wait3A_509] : memref<4x2056x128xf32, #tpu.memory_space<hbm>> -> memref<1x64x128xf32, #tpu.memory_space<hbm>>
    %dma_wait3A_511 = tpu.memref_squeeze %dma_wait3A_510 : memref<1x64x128xf32, #tpu.memory_space<hbm>> -> memref<64x128xf32, #tpu.memory_space<hbm>>
    %dma_wait3A_512 = arith.constant 0 : i32
    %dma_wait3A_513 = tpu.memref_slice %arg6[%dma_wait3A_504, %add3A_274, %dma_wait3A_512] : memref<4x2056x128xf32, #tpu.memory_space<hbm>> -> memref<1x64x128xf32, #tpu.memory_space<hbm>>
    %dma_wait3A_514 = tpu.memref_squeeze %dma_wait3A_513 : memref<1x64x128xf32, #tpu.memory_space<hbm>> -> memref<64x128xf32, #tpu.memory_space<hbm>>
    %dma_wait3A_515 = arith.constant 0 : i32
    %dma_wait3A_516 = arith.constant 0 : i32
    %dma_wait3A_517 = tpu.memref_slice %arg8[%dma_wait3A_503, %dma_wait3A_515, %dma_wait3A_516] : memref<4x64x128xf32, #tpu.memory_space<vmem>> -> memref<1x64x128xf32, #tpu.memory_space<vmem>>
    %dma_wait3A_518 = tpu.memref_squeeze %dma_wait3A_517 : memref<1x64x128xf32, #tpu.memory_space<vmem>> -> memref<64x128xf32, #tpu.memory_space<vmem>>
    tpu.wait_dma2 semaphore(%arg21 : memref<!tpu.dma_semaphore, #tpu.memory_space<semaphore_mem>>) src(%dma_wait3A_518 : memref<64x128xf32, #tpu.memory_space<vmem>>) dst(%dma_wait3A_514 : memref<64x128xf32, #tpu.memory_space<hbm>>)
    %dma_wait3A_519 = arith.constant 1 : i32
    %dma_wait3A_520 = arith.constant 1 : i32
    %dma_wait3A_521 = arith.constant 0 : i32
    %dma_wait3A_522 = arith.constant 0 : i32
    %dma_wait3A_523 = tpu.memref_slice %arg8[%dma_wait3A_519, %dma_wait3A_521, %dma_wait3A_522] : memref<4x64x128xf32, #tpu.memory_space<vmem>> -> memref<1x64x128xf32, #tpu.memory_space<vmem>>
    %dma_wait3A_524 = tpu.memref_squeeze %dma_wait3A_523 : memref<1x64x128xf32, #tpu.memory_space<vmem>> -> memref<64x128xf32, #tpu.memory_space<vmem>>
    %dma_wait3A_525 = arith.constant 0 : i32
    %dma_wait3A_526 = tpu.memref_slice %arg6[%dma_wait3A_520, %add3A_334, %dma_wait3A_525] : memref<4x2056x128xf32, #tpu.memory_space<hbm>> -> memref<1x64x128xf32, #tpu.memory_space<hbm>>
    %dma_wait3A_527 = tpu.memref_squeeze %dma_wait3A_526 : memref<1x64x128xf32, #tpu.memory_space<hbm>> -> memref<64x128xf32, #tpu.memory_space<hbm>>
    %dma_wait3A_528 = arith.constant 0 : i32
    %dma_wait3A_529 = tpu.memref_slice %arg6[%dma_wait3A_520, %add3A_334, %dma_wait3A_528] : memref<4x2056x128xf32, #tpu.memory_space<hbm>> -> memref<1x64x128xf32, #tpu.memory_space<hbm>>
    %dma_wait3A_530 = tpu.memref_squeeze %dma_wait3A_529 : memref<1x64x128xf32, #tpu.memory_space<hbm>> -> memref<64x128xf32, #tpu.memory_space<hbm>>
    %dma_wait3A_531 = arith.constant 0 : i32
    %dma_wait3A_532 = arith.constant 0 : i32
    %dma_wait3A_533 = tpu.memref_slice %arg8[%dma_wait3A_519, %dma_wait3A_531, %dma_wait3A_532] : memref<4x64x128xf32, #tpu.memory_space<vmem>> -> memref<1x64x128xf32, #tpu.memory_space<vmem>>
    %dma_wait3A_534 = tpu.memref_squeeze %dma_wait3A_533 : memref<1x64x128xf32, #tpu.memory_space<vmem>> -> memref<64x128xf32, #tpu.memory_space<vmem>>
    tpu.wait_dma2 semaphore(%arg21 : memref<!tpu.dma_semaphore, #tpu.memory_space<semaphore_mem>>) src(%dma_wait3A_534 : memref<64x128xf32, #tpu.memory_space<vmem>>) dst(%dma_wait3A_530 : memref<64x128xf32, #tpu.memory_space<hbm>>)
    %dma_wait3A_535 = arith.constant 2 : i32
    %dma_wait3A_536 = arith.constant 2 : i32
    %dma_wait3A_537 = arith.constant 0 : i32
    %dma_wait3A_538 = arith.constant 0 : i32
    %dma_wait3A_539 = tpu.memref_slice %arg8[%dma_wait3A_535, %dma_wait3A_537, %dma_wait3A_538] : memref<4x64x128xf32, #tpu.memory_space<vmem>> -> memref<1x64x128xf32, #tpu.memory_space<vmem>>
    %dma_wait3A_540 = tpu.memref_squeeze %dma_wait3A_539 : memref<1x64x128xf32, #tpu.memory_space<vmem>> -> memref<64x128xf32, #tpu.memory_space<vmem>>
    %dma_wait3A_541 = arith.constant 0 : i32
    %dma_wait3A_542 = tpu.memref_slice %arg6[%dma_wait3A_536, %add3A_394, %dma_wait3A_541] : memref<4x2056x128xf32, #tpu.memory_space<hbm>> -> memref<1x64x128xf32, #tpu.memory_space<hbm>>
    %dma_wait3A_543 = tpu.memref_squeeze %dma_wait3A_542 : memref<1x64x128xf32, #tpu.memory_space<hbm>> -> memref<64x128xf32, #tpu.memory_space<hbm>>
    %dma_wait3A_544 = arith.constant 0 : i32
    %dma_wait3A_545 = tpu.memref_slice %arg6[%dma_wait3A_536, %add3A_394, %dma_wait3A_544] : memref<4x2056x128xf32, #tpu.memory_space<hbm>> -> memref<1x64x128xf32, #tpu.memory_space<hbm>>
    %dma_wait3A_546 = tpu.memref_squeeze %dma_wait3A_545 : memref<1x64x128xf32, #tpu.memory_space<hbm>> -> memref<64x128xf32, #tpu.memory_space<hbm>>
    %dma_wait3A_547 = arith.constant 0 : i32
    %dma_wait3A_548 = arith.constant 0 : i32
    %dma_wait3A_549 = tpu.memref_slice %arg8[%dma_wait3A_535, %dma_wait3A_547, %dma_wait3A_548] : memref<4x64x128xf32, #tpu.memory_space<vmem>> -> memref<1x64x128xf32, #tpu.memory_space<vmem>>
    %dma_wait3A_550 = tpu.memref_squeeze %dma_wait3A_549 : memref<1x64x128xf32, #tpu.memory_space<vmem>> -> memref<64x128xf32, #tpu.memory_space<vmem>>
    tpu.wait_dma2 semaphore(%arg21 : memref<!tpu.dma_semaphore, #tpu.memory_space<semaphore_mem>>) src(%dma_wait3A_550 : memref<64x128xf32, #tpu.memory_space<vmem>>) dst(%dma_wait3A_546 : memref<64x128xf32, #tpu.memory_space<hbm>>)
    %dma_wait3A_551 = arith.constant 3 : i32
    %dma_wait3A_552 = arith.constant 3 : i32
    %dma_wait3A_553 = arith.constant 0 : i32
    %dma_wait3A_554 = arith.constant 0 : i32
    %dma_wait3A_555 = tpu.memref_slice %arg8[%dma_wait3A_551, %dma_wait3A_553, %dma_wait3A_554] : memref<4x64x128xf32, #tpu.memory_space<vmem>> -> memref<1x64x128xf32, #tpu.memory_space<vmem>>
    %dma_wait3A_556 = tpu.memref_squeeze %dma_wait3A_555 : memref<1x64x128xf32, #tpu.memory_space<vmem>> -> memref<64x128xf32, #tpu.memory_space<vmem>>
    %dma_wait3A_557 = arith.constant 0 : i32
    %dma_wait3A_558 = arith.constant 0 : i32
    %dma_wait3A_559 = tpu.memref_slice %dma_wait3A_556[%dma_wait3A_557, %dma_wait3A_558] : memref<64x128xf32, #tpu.memory_space<vmem>> -> memref<32x128xf32, #tpu.memory_space<vmem>>
    %dma_wait3A_560 = arith.constant 0 : i32
    %dma_wait3A_561 = tpu.memref_slice %arg6[%dma_wait3A_552, %add3A_433, %dma_wait3A_560] : memref<4x2056x128xf32, #tpu.memory_space<hbm>> -> memref<1x32x128xf32, #tpu.memory_space<hbm>>
    %dma_wait3A_562 = tpu.memref_squeeze %dma_wait3A_561 : memref<1x32x128xf32, #tpu.memory_space<hbm>> -> memref<32x128xf32, #tpu.memory_space<hbm>>
    %dma_wait3A_563 = arith.constant 0 : i32
    %dma_wait3A_564 = tpu.memref_slice %arg6[%dma_wait3A_552, %add3A_433, %dma_wait3A_563] : memref<4x2056x128xf32, #tpu.memory_space<hbm>> -> memref<1x32x128xf32, #tpu.memory_space<hbm>>
    %dma_wait3A_565 = tpu.memref_squeeze %dma_wait3A_564 : memref<1x32x128xf32, #tpu.memory_space<hbm>> -> memref<32x128xf32, #tpu.memory_space<hbm>>
    %dma_wait3A_566 = arith.constant 0 : i32
    %dma_wait3A_567 = arith.constant 0 : i32
    %dma_wait3A_568 = tpu.memref_slice %arg8[%dma_wait3A_551, %dma_wait3A_566, %dma_wait3A_567] : memref<4x64x128xf32, #tpu.memory_space<vmem>> -> memref<1x64x128xf32, #tpu.memory_space<vmem>>
    %dma_wait3A_569 = tpu.memref_squeeze %dma_wait3A_568 : memref<1x64x128xf32, #tpu.memory_space<vmem>> -> memref<64x128xf32, #tpu.memory_space<vmem>>
    %dma_wait3A_570 = arith.constant 0 : i32
    %dma_wait3A_571 = arith.constant 0 : i32
    %dma_wait3A_572 = tpu.memref_slice %dma_wait3A_569[%dma_wait3A_570, %dma_wait3A_571] : memref<64x128xf32, #tpu.memory_space<vmem>> -> memref<32x128xf32, #tpu.memory_space<vmem>>
    tpu.wait_dma2 semaphore(%arg21 : memref<!tpu.dma_semaphore, #tpu.memory_space<semaphore_mem>>) src(%dma_wait3A_572 : memref<32x128xf32, #tpu.memory_space<vmem>>) dst(%dma_wait3A_565 : memref<32x128xf32, #tpu.memory_space<hbm>>)
    %dma_wait3A_573 = arith.constant 3 : i32
    %dma_wait3A_574 = arith.constant 3 : i32
    %dma_wait3A_575 = arith.constant 0 : i32
    %dma_wait3A_576 = arith.constant 0 : i32
    %dma_wait3A_577 = tpu.memref_slice %arg8[%dma_wait3A_573, %dma_wait3A_575, %dma_wait3A_576] : memref<4x64x128xf32, #tpu.memory_space<vmem>> -> memref<1x64x128xf32, #tpu.memory_space<vmem>>
    %dma_wait3A_578 = tpu.memref_squeeze %dma_wait3A_577 : memref<1x64x128xf32, #tpu.memory_space<vmem>> -> memref<64x128xf32, #tpu.memory_space<vmem>>
    %dma_wait3A_579 = arith.constant 32 : i32
    %dma_wait3A_580 = arith.constant 0 : i32
    %dma_wait3A_581 = tpu.memref_slice %dma_wait3A_578[%dma_wait3A_579, %dma_wait3A_580] : memref<64x128xf32, #tpu.memory_space<vmem>> -> memref<32x128xf32, #tpu.memory_space<vmem>>
    %dma_wait3A_582 = arith.constant 0 : i32
    %dma_wait3A_583 = tpu.memref_slice %arg6[%dma_wait3A_574, %add3A_480, %dma_wait3A_582] : memref<4x2056x128xf32, #tpu.memory_space<hbm>> -> memref<1x32x128xf32, #tpu.memory_space<hbm>>
    %dma_wait3A_584 = tpu.memref_squeeze %dma_wait3A_583 : memref<1x32x128xf32, #tpu.memory_space<hbm>> -> memref<32x128xf32, #tpu.memory_space<hbm>>
    %dma_wait3A_585 = arith.constant 0 : i32
    %dma_wait3A_586 = tpu.memref_slice %arg6[%dma_wait3A_574, %add3A_480, %dma_wait3A_585] : memref<4x2056x128xf32, #tpu.memory_space<hbm>> -> memref<1x32x128xf32, #tpu.memory_space<hbm>>
    %dma_wait3A_587 = tpu.memref_squeeze %dma_wait3A_586 : memref<1x32x128xf32, #tpu.memory_space<hbm>> -> memref<32x128xf32, #tpu.memory_space<hbm>>
    %dma_wait3A_588 = arith.constant 0 : i32
    %dma_wait3A_589 = arith.constant 0 : i32
    %dma_wait3A_590 = tpu.memref_slice %arg8[%dma_wait3A_573, %dma_wait3A_588, %dma_wait3A_589] : memref<4x64x128xf32, #tpu.memory_space<vmem>> -> memref<1x64x128xf32, #tpu.memory_space<vmem>>
    %dma_wait3A_591 = tpu.memref_squeeze %dma_wait3A_590 : memref<1x64x128xf32, #tpu.memory_space<vmem>> -> memref<64x128xf32, #tpu.memory_space<vmem>>
    %dma_wait3A_592 = arith.constant 32 : i32
    %dma_wait3A_593 = arith.constant 0 : i32
    %dma_wait3A_594 = tpu.memref_slice %dma_wait3A_591[%dma_wait3A_592, %dma_wait3A_593] : memref<64x128xf32, #tpu.memory_space<vmem>> -> memref<32x128xf32, #tpu.memory_space<vmem>>
    tpu.wait_dma2 semaphore(%arg21 : memref<!tpu.dma_semaphore, #tpu.memory_space<semaphore_mem>>) src(%dma_wait3A_594 : memref<32x128xf32, #tpu.memory_space<vmem>>) dst(%dma_wait3A_587 : memref<32x128xf32, #tpu.memory_space<hbm>>)
    %lt3A_595 = arith.constant 4 : i32
    %lt3A_596 = arith.cmpi slt, %add3A, %lt3A_595 : i32
    %convert_element_type3A_597 = arith.extui %lt3A_596 : i1 to i32
    %cond3A_598 = arith.constant 0 : i32
    %cond3A_599 = arith.cmpi ne, %convert_element_type3A_597, %cond3A_598 : i32
    scf.if %cond3A_599 {
      %dma_wait3A_600 = arith.constant 0 : i32
      %dma_wait3A_601 = arith.constant 0 : i32
      %dma_wait3A_602 = tpu.memref_slice %arg6[%add3A, %dma_wait3A_600, %dma_wait3A_601] : memref<4x2056x128xf32, #tpu.memory_space<hbm>> -> memref<1x8x128xf32, #tpu.memory_space<hbm>>
      %dma_wait3A_603 = tpu.memref_squeeze %dma_wait3A_602 : memref<1x8x128xf32, #tpu.memory_space<hbm>> -> memref<8x128xf32, #tpu.memory_space<hbm>>
      %dma_wait3A_604 = arith.constant 0 : i32
      %dma_wait3A_605 = arith.constant 0 : i32
      %dma_wait3A_606 = tpu.memref_slice %arg6[%add3A, %dma_wait3A_604, %dma_wait3A_605] : memref<4x2056x128xf32, #tpu.memory_space<hbm>> -> memref<1x8x128xf32, #tpu.memory_space<hbm>>
      %dma_wait3A_607 = tpu.memref_squeeze %dma_wait3A_606 : memref<1x8x128xf32, #tpu.memory_space<hbm>> -> memref<8x128xf32, #tpu.memory_space<hbm>>
      tpu.wait_dma2 semaphore(%arg21 : memref<!tpu.dma_semaphore, #tpu.memory_space<semaphore_mem>>) src(%arg10 : memref<8x128xf32, #tpu.memory_space<vmem>>) dst(%dma_wait3A_607 : memref<8x128xf32, #tpu.memory_space<hbm>>)
    } else {
    }
    return
  }
}

</mosaic_0001>

<sc_bundles>
// kernel: kernel.3.cloned.1.call-start
scs
__scs_entry_jumppad:
0x0: {  	(pc) =	sbr.rel $0x88, $3  }
0x1: {  	(tag) =	ssettag $0x0;
	lr =	simm.s32 $0x1  }
0x2: {  	[smem:$0x3F9D] =	sst lr;
	_ =	strace $0xD0000000  }
0x3: {  	_ = 	snop  }
0x4: {  	_ = 	snop  }
0x5: {  	_ = 	snop  }
0x6: {  	_ = 	snop  }
0x7: {  	_ = 	snop  }
__scs_overlays_trampoline_lowered:
0x8: {  	[smem:$0x3FAC] =	sst s0  }
0x9: {  	[smem:$0x3FAD] =	sst s1  }
0xa: {  	[smem:$0x3FAE] =	sst s2  }
0xb: {  	[smem:$0x3FAF] =	sst s3  }
0xc: {  	[smem:$0x3FB0] =	sst s4  }
0xd: {  	[smem:$0x3FB1] =	sst s5  }
0xe: {  	[smem:$0x3FB2] =	sst s6  }
0xf: {  	[smem:$0x3FB3] =	sst s7  }
0x10: {  	[smem:$0x3FB4] =	sst s8  }
0x11: {  	[smem:$0x3FB5] =	sst s9;
	s0 =	simm.s32 @!p0 $0x0  }
0x12: {  	s1 =	sld [smem:$0x3F9B];
	s0 =	simm.s32 @p0 $0x1  }
0x13: {  	[smem:$0x3FB6] =	sst s0;
	s0 =	simm.s32 @!p1 $0x0  }
0x14: {  	s2 =	sld [smem:$0x3F9A];
	s0 =	simm.s32 @p1 $0x1  }
0x15: {  	[smem:$0x3FB7] =	sst s0;
	s0 =	simm.s32 @!p2 $0x0  }
0x16: {  	s3 =	sld [smem:$0x3FDB];
	s0 =	simm.s32 @p2 $0x1  }
0x17: {  	s4 =	simm.s32 $0x1BF5;
	[smem:$0x3FB9] =	sst s0  }
0x18: {  	s0 =	sld [smem:$0x3F9C];
	_ =	swait.ge [sflag:s4], $0x0  }
0x19: {  	s7 =	sld [smem:$0x3F9D]  }
0x1a: {  	s8 =	sadd.s32 $0xFFFFE003, lr  }
0x1b: {  	s9 =	sadd.s32 $0xFFFFFEF7, lr;
	s5 =	simm.s32 $0xFFFFFFFF;
	p2 =	slt.u32 s8, $0xFFFFF086  }
0x1c: {  	p1 =	slt.u32 s9, $0xF7A;
	s5 =	simm.s32 @!p2 $0x0  }
0x1d: {  	s5 =	simm.s32 @p1 $0x1;
	p0 =	seq.s32 s7, s2  }
0x1e: {  	s7 =	smul.u32 @!p0 $0xF7A, s2;
	p2 =	seq.s32 @!p0 s5, $0x0  }
0x1f: {  	s9 =	smul.u32 $0xF7A, s1;
	s8 =	simm.s32 @!p0 $0x1BF5;
	p2 =	por !p2, p0  }
0x20: {  	[sflag:s8] =	ssyncset.s32 @!p0 $0xFFFFF086;
	s6 =	sadd.s32 @!p0 s3, s7;
	s7 =	simm.s32 @!p0 $0x108  }
0x21: {  	s3 =	sadd.s32 s3, s9;
	s6 =	sadd.s32 @!p0 $0x88, s6;
	s7 =	simm.s32 @p2 $0x1082  }
0x22: {  	[simem:s7], [sflag:s8] =	dma.local @!p0 [hbm:s6], $0xF7A  }
0x23: {  	s9 =	sor.u32 $0xD0000000, s2;
	s6 =	simm.s32 $0x108;
	_ =	swait.ge @!p0 [sflag:s8], $0x0  }
0x24: {  	s3 =	sadd.s32 $0x88, s3;
	s6 =	simm.s32 @!p1 $0x1082;
	[sflag:s4] =	ssyncset.s32 $0xFFFFF086  }
0x25: {  	[simem:s6], [sflag:s4] =	dma.local [hbm:s3], $0xF7A  }
0x26: {  	[smem:$0x3F9D] =	sst s1;
	(tag) =	ssettag s2;
	_ =	strace s9  }
0x27: {  	s1 =	sld [smem:$0x3FAD]  }
0x28: {  	s2 =	sld [smem:$0x3FAE]  }
0x29: {  	s4 =	sld [smem:$0x3FB0]  }
0x2a: {  	p0 =	seq.s32 s5, $0x0;
	s5 =	sld [smem:$0x3FB1]  }
0x2b: {  	s6 =	sld [smem:$0x3FB2]  }
0x2c: {  	s7 =	sld [smem:$0x3FB3]  }
0x2d: {  	s3 =	simm.s32 $0x108;
	s8 =	sld [smem:$0x3FB4]  }
0x2e: {  	s3 =	simm.s32 @!p0 $0x1082;
	s9 =	sld [smem:$0x3FB5]  }
0x2f: {  	lr =	sadd.s32 s0, s3;
	s0 =	sld [smem:$0x3FAC]  }
0x30: {  	s3 =	sld [smem:$0x3FAF]  }
0x31: {  	[smem:$0x3FB8] =	sst s10  }
0x32: {  	s10 =	sld [smem:$0x3FB6];
	_ =	sdelay $0x3  }
0x33: {  	p0 =	seq.s32 s10, $0x1;
	s10 =	sld [smem:$0x3FB8];
	_ =	sdelay $0x3  }
0x34: {  	[smem:$0x3FB8] =	sst s10  }
0x35: {  	s10 =	sld [smem:$0x3FB7];
	_ =	sdelay $0x3  }
0x36: {  	p1 =	seq.s32 s10, $0x1;
	s10 =	sld [smem:$0x3FB8];
	_ =	sdelay $0x3  }
0x37: {  	[smem:$0x3FB8] =	sst s10  }
0x38: {  	s10 =	sld [smem:$0x3FB9]  }
0x39: {  	_ = 	snop;
	(pc) =	sbr.ind lr, $3  }
0x3a: {  	_ = 	snop  }
0x3b: {  	_ = 	snop  }
0x3c: {  	p2 =	seq.s32 s10, $0x1;
	s10 =	sld [smem:$0x3FB8]  }
0x3d: {  	_ =	shalt  }
0x3e: {  	_ =	shalt  }
0x3f: {  	_ =	shalt  }
0x40: {  	_ =	shalt  }
0x41: {  	_ =	shalt  }
0x42: {  	_ =	shalt  }
0x43: {  	_ =	shalt  }
0x44: {  	_ =	shalt  }
0x45: {  	_ =	shalt  }
0x46: {  	_ =	shalt  }
0x47: {  	_ =	shalt  }
0x48: {  	_ =	shalt  }
0x49: {  	_ =	shalt  }
0x4a: {  	_ =	shalt  }
0x4b: {  	_ =	shalt  }
0x4c: {  	_ =	shalt  }
0x4d: {  	_ =	shalt  }
0x4e: {  	_ =	shalt  }
0x4f: {  	_ =	shalt  }
0x50: {  	_ =	shalt  }
0x51: {  	_ =	shalt  }
0x52: {  	_ =	shalt  }
0x53: {  	_ =	shalt  }
0x54: {  	_ =	shalt  }
0x55: {  	_ =	shalt  }
0x56: {  	_ =	shalt  }
0x57: {  	_ =	shalt  }
0x58: {  	_ =	shalt  }
0x59: {  	_ =	shalt  }
0x5a: {  	_ =	shalt  }
0x5b: {  	_ =	shalt  }
0x5c: {  	_ =	shalt  }
0x5d: {  	_ =	shalt  }
0x5e: {  	_ =	shalt  }
0x5f: {  	_ =	shalt  }
0x60: {  	_ =	shalt  }
0x61: {  	_ =	shalt  }
0x62: {  	_ =	shalt  }
0x63: {  	_ =	shalt  }
0x64: {  	_ =	shalt  }
0x65: {  	_ =	shalt  }
0x66: {  	_ =	shalt  }
0x67: {  	_ =	shalt  }
0x68: {  	_ =	shalt  }
0x69: {  	_ =	shalt  }
0x6a: {  	_ =	shalt  }
0x6b: {  	_ =	shalt  }
0x6c: {  	_ =	shalt  }
0x6d: {  	_ =	shalt  }
0x6e: {  	_ =	shalt  }
0x6f: {  	_ =	shalt  }
0x70: {  	_ =	shalt  }
0x71: {  	_ =	shalt  }
0x72: {  	_ =	shalt  }
0x73: {  	_ =	shalt  }
0x74: {  	_ =	shalt  }
0x75: {  	_ =	shalt  }
0x76: {  	_ =	shalt  }
0x77: {  	_ =	shalt  }
0x78: {  	_ =	shalt  }
0x79: {  	_ =	shalt  }
0x7a: {  	_ =	shalt  }
0x7b: {  	_ =	shalt  }
0x7c: {  	_ =	shalt  }
0x7d: {  	_ =	shalt  }
0x7e: {  	_ =	shalt  }
0x7f: {  	_ =	shalt  }
0x80: {  	_ =	shalt  }
0x81: {  	_ =	shalt  }
0x82: {  	_ =	shalt  }
0x83: {  	_ =	shalt  }
0x84: {  	_ =	shalt  }
0x85: {  	_ =	shalt  }
0x86: {  	_ =	shalt  }
0x87: {  	_ =	shalt  }
.Lfunc_end0:
.L_simem_size_0:
called_computation_lowered:
.L_overlay_start_0:
0x88: {  	s2 =	sld [smem:$0x3FD9]  }
0x89: {  	s3 =	sld [smem:$0x3FFE];
	_ =	sdelay $0x1  }
0x8a: {  	s1 =	srdreg.scid  }
0x8b: {  	s0 =	sand.u32 $0x1, s1  }
0x8c: {  	s18 =	sshll.u32 s0, $0xA;
	s2 =	sadd.s32 s3, s2  }
0x8d: {  	s2 =	sadd.s32 s2, s18  }
0x8e: {  	[smem:$0x3FC4] =	sst s2  }
0x8f: {  	_ = 	snop  }
0x90: {  	s2 =	sld [smem:$0x3FC9]  }
0x91: {  	s19 =	sld [smem:$0x3FC8]  }
0x92: {  	s4 =	sld [smem:$0x3FC7]  }
0x93: {  	s5 =	sld [smem:$0x3FC6]  }
0x94: {  	s6 =	sld [smem:$0x3FD0];
	(tm) =	ssettm $0x1  }
0x95: {  	s7 =	sld [smem:$0x3FFB];
	_ =	sdelay $0x3  }
0x96: {  	_ =	strace s7  }
0x97: {  	s7 =	sld [smem:$0x3FFC];
	_ =	sdelay $0x3  }
0x98: {  	_ =	strace s7  }
0x99: {  	s7 =	sld [smem:$0x3FFD];
	_ =	sdelay $0x3  }
0x9a: {  	_ =	strace s7  }
0x9b: {  	_ =	strace $0x8FFFFFFF  }
0x9c: {  	s20 =	sld [smem:$0x3FDB];
	_ =	sdelay $0x1  }
0x9d: {  	s8 =	simm.s32 $_scs_section_size  }
0x9e: {  	s9 =	simm.s32 $_size__tile_overlayer_lowered;
	s10 =	simm.s32 $_tile_overlayer_lowered  }
0x9f: {  	s23 =	simm.s32 $0x1BFF;
	s22 =	sshll.u32 s10, $0x1;
	s7 =	sadd.s32 s8, s20  }
0xa0: {  	s11 =	simm.s32 $0x0;
	s21 =	sshll.u32 s9, $0x1;
	s9 =	sadd.s32 s22, s7  }
0xa1: {  	[timem:s11], [sflag:s23] =	dma.local [hbm:s9], s21  }
0xa2: {  	_ =	swait.ge [sflag:s23], s21  }
0xa3: {  	s8 =	ssub.s32 $0x0, s21;
	[sflag:s23] =	ssyncset.done $0x0  }
0xa4: {  	[sflag:s23] =	ssyncadd.s32 s8;
	_ =	sdelay $0x1  }
0xa5: {  	s24 =	simm.s32 $0x1B8B  }
0xa6: {  	_ =	swait.ge [sflag:s24], $0x1  }
0xa7: {  	[sflag:s24] =	ssyncset.done $0x0  }
0xa8: {  	s25 =	simm.s32 $0x1B8E;
	[sflag:s24] =	ssyncadd.s32 $0xFFFFFFFF  }
0xa9: {  	s26 =	simm.s32 $execute0_lowered;
	[smem:$0x3FD2] =	sst s25  }
0xaa: {  	s8 =	sshll.u32 s26, $0x1;
	_ =	strace $0x80000046;
	[dreg:$0x1] =	wrdreg $0xFFFFFFFF  }
0xab: {  	s28 =	simm.s32 $_size_execute0_lowered;
	s7 =	sadd.s32 s7, s8;
	[dreg:$0x0] =	wrdreg $0x0  }
0xac: {  	s8 =	sshll.u32 s28, $0x1;
	[dreg:$0x2] =	wrdreg s7  }
0xad: {  	[dreg:$0x3] =	wrdreg s8  }
0xae: {  	[dreg:$0x4] =	wrdreg $0xC0  }
0xaf: {  	_ =	task [dreg:s11], $0x5FFFF  }
0xb0: {  	[dreg:$0x1] =	wrdreg $0xFFFFFFFF  }
0xb1: {  	[dreg:$0x0] =	wrdreg $0x60  }
0xb2: {  	[dreg:$0x2] =	wrdreg s2  }
0xb3: {  	[dreg:$0x3] =	wrdreg s19  }
0xb4: {  	[dreg:$0x4] =	wrdreg s4  }
0xb5: {  	[dreg:$0x5] =	wrdreg s5  }
0xb6: {  	[dreg:$0x6] =	wrdreg s6  }
0xb7: {  	[dreg:$0x7] =	wrdreg $0x9  }
0xb8: {  	_ =	task.clear_ibuf [dreg:s11], $0x8FFFF;
	_ =	strace $0x90000046  }
0xb9: {  	s29 =	simm.s32 $0x9;
	_ =	strace $0x80000048  }
0xba: {  	_ =	swait.ge [sflag:s29], $0x1  }
0xbb: {  	[sflag:s29] =	ssyncadd.s32 $0xFFFFFFFF  }
0xbc: {  	_ =	strace $0x90000048  }
0xbd: {  	_ =	sfence  }
0xbe: {  	s30 =	sld [smem:$0x0];
	_ =	sdelay $0x2  }
0xbf: {  	s31 =	sshll.u32 s1, $0xD;
	s1 =	sshrl.u32 s1, $0x2  }
0xc0: {  	s3 =	sand.u32 $0x4000, s31;
	s1 =	sadd.s32 s1, s30  }
0xc1: {  	s0 =	sor.u32 s3, s0;
	s1 =	sshll.u32 s1, $0x11  }
0xc2: {  	s0 =	sor.u32 s1, s0  }
0xc3: {  	s0 =	sadd.s32 $0x8F2B, s0  }
0xc4: {  	[sflag:s0] =	ssyncadd.remote.s32 $0x1  }
0xc5: {  	_ =	sfence.sel $0xFFFF  }
0xc6: {  	[dreg:$0x0] =	wrdreg $0xFFFFFFFF;
	(pc) =	sbr.abs _section_cstart, $3  }
0xc7: {  	[dreg:$0x1] =	wrdreg $0xFFFFFFFF  }
0xc8: {  	_ =	task.clear_ibuf [dreg:s11], $0x2FFFF;
	_ =	strace $0x9FFFFFFF  }
0xc9: {  	(tm) =	ssettm $0x7FFFFFFF  }
tec
execute0_lowered:
.L_overlay_start_1:
0x0: {  	(tag) =	ssettag $0x1  }
0x1: {  	s0 =	rddreg [dreg:$0x0]  }
0x2: {  	s1 =	rddreg [dreg:$0x1]  }
0x3: {  	s2 =	rddreg [dreg:$0x2]  }
0x4: {  	s3 =	srdreg.scid;
	s17 =	stileid.u32  }
0x5: {  	s6 =	rddreg [dreg:$0x4];
	s21 =	simm.s32 $0x1;
	s30 =	simm.s32 $0x3  }
0x6: {  	s31 =	simm.s32 $0x4200;
	s20 =	simm.s32 $0x6200;
	s28 =	simm.s32 $0x7200  }
0x7: {  	s29 =	simm.s32 $0x9;
	s19 =	simm.s32 $0x100;
	s11 =	simm.s32 $0x180  }
0x8: {  	s3 =	sand.u32 $0x1, s3;
	s4 =	sshll.u32 s17, $0x1;
	p0 =	sgt.u32 s17, $0x1  }
0x9: {  	s7 =	sor.u32 s3, s4;
	s4 =	simm.s32 $0x0;
	s8 =	sshll.u32 s3, $0x6  }
0xa: {  	s3 =	ssub.s32 $0x2, s3;
	s5 =	sshll.u32 s7, $0x8;
	[smem:$0x7FF] =	sst s4  }
0xb: {  	s10 =	sshrl.u32 s3, $0x1;
	s23 =	sshll.u32 s7, $0xA;
	s7 =	smul.u32 $0x8080, s7  }
0xc: {  	s9 =	sand.u32 $0x1E00, s5;
	_ =	strace $0x80000047;
	s3 =	ssub.s32 s3, s10  }
0xd: {  	s24 =	sadd.s32 s23, s6;
	s2 =	sadd.s32 s2, s23;
	s23 =	simm.s32 $0x200  }
0xe: {  	s9 =	sor.u32 s8, s9;
	s8 =	sor.u32 s8, s5;
	[dreg:$0x9] =	wrdreg s2  }
0xf: {  	s25 =	sadd.s32 s6, s7;
	s26 =	sadd.s32 $0x80, s24;
	s12 =	sadd.s32 $0x8100, s24  }
0x10: {  	s13 =	sadd.s32 $0x10180, s24;
	s14 =	sadd.s32 $0x18200, s24;
	s15 =	sadd.s32 $0x18400, s24  }
0x11: {  	s16 =	smax.u32 s3, $0x1;
	s3 =	simm.s32 $0x4;
	s2 =	simm.s32 $0x5  }
0x12: {  	s24 =	simm.s32 $0x7;
	s6 =	simm.s32 $0x8;
	s7 =	simm.s32 $0xB  }
0x13: {  	s9 =	sshrl.u32 s9, $0x3;
	s8 =	sshrl.u32 s8, $0x3;
	[dreg:$0xa] =	wrdreg s25  }
0x14: {  	[dreg:$0xb] =	wrdreg s26;
	s25 =	simm.s32 $0x2;
	s5 =	sadd.s32 s0, s9  }
0x15: {  	s26 =	simm.s32 $0x2200;
	s22 =	sor.u32 $0x20, s8;
	s9 =	sadd.s32 $0x10, s5  }
0x16: {  	s8 =	sor.u32 $0x30, s8;
	[dreg:$0x6] =	wrdreg s9;
	s9 =	sadd.s32 s0, s22  }
0x17: {  	s0 =	sadd.s32 s0, s8;
	s22 =	simm.s32 $0x20;
	[dreg:$0x7] =	wrdreg s9  }
0x18: {  	s8 =	simm.s32 $0x0;
	[dreg:$0x8] =	wrdreg s0;
	s0 =	simm.s32 $0x6  }
.LBB2_1:
0x19: {  	[tilespmem:s4], [sflag:$0x1] =	stream.linear.gather [hbm4b:s5+s4], $0x40, $0x38;
	[tilespmem:$0xA600] =	vst v63  }
0x1a: {  	s9 =	rddreg [dreg:$0x6];
	s10 =	simm.s32 $0x80  }
0x1b: {  	[tilespmem:s10], [sflag:$0x2] =	stream.linear.gather [hbm4b:s9+s4], $0x40, $0x38;
	[tilespmem:$0xA600] =	vst v63  }
0x1c: {  	s18 =	rddreg [dreg:$0x7]  }
0x1d: {  	[tilespmem:s19], [sflag:$0x3] =	stream.linear.gather [hbm4b:s18+s4], $0x40, $0x38;
	[tilespmem:$0xA600] =	vst v63  }
0x1e: {  	s17 =	rddreg [dreg:$0x8]  }
0x1f: {  	[tilespmem:s11], [sflag:$0x4] =	stream.linear.gather [hbm4b:s17+s4], $0x40, $0x38;
	[tilespmem:$0xA600] =	vst v63  }
0x20: {  	s18 =	rddreg [dreg:$0x9];
	s17 =	simm.s32 $0x8200  }
0x21: {  	[tilespmem:s17], [sflag:$0x9] =	stream.linear.gather [hbm4b:s18+s4], $0x2000, $0x38;
	[tilespmem:$0xA600] =	vst v63  }
0x22: {  	s9 =	simm.s32 @!p0 $0x0;
	s17 =	simm.s32 @!p0 $0xA200;
	s18 =	rddreg [dreg:$0x3]  }
0x23: {  	[tilespmem:s17], [sflag:$0xA] =	stream.linear.gather @!p0 [hbm4b:s18+s9], $0x400, $0x38;
	[tilespmem:$0xA600] =	vst v63  }
0x24: {  	_ =	swait.ge [sflag:s21], $0x40  }
0x25: {  	[sflag:s21] =	ssyncset.done $0x0  }
0x26: {  	[sflag:s21] =	ssyncadd.s32 $0xFFFFFFC0  }
0x27: {  	[tilespmem:s23], [sflag:$0x1] =	stream.indirect.gather [hbm4b:s1+s22], $0x80, s4, s22, $0xb8;
	[tilespmem:$0xA600] =	vst v63  }
0x28: {  	s18 =	simm.s32 $0x1200  }
0x29: {  	[tilespmem:s18], [sflag:$0x5] =	stream.indirect.gather [hbm4b:s1+s22], $0x80, s22, s22, $0xb8;
	[tilespmem:$0xA600] =	vst v63  }
0x2a: {  	_ =	swait.ge [sflag:s25], $0x40  }
0x2b: {  	[sflag:s25] =	ssyncset.done $0x0  }
0x2c: {  	[sflag:s25] =	ssyncadd.s32 $0xFFFFFFC0  }
0x2d: {  	[tilespmem:s26], [sflag:$0x2] =	stream.indirect.gather [hbm4b:s1+s22], $0x80, s10, s22, $0xb8;
	[tilespmem:$0xA600] =	vst v63  }
0x2e: {  	s18 =	simm.s32 $0x3200;
	s10 =	simm.s32 $0xA0  }
0x2f: {  	[tilespmem:s18], [sflag:$0x6] =	stream.indirect.gather [hbm4b:s1+s22], $0x80, s10, s22, $0xb8;
	[tilespmem:$0xA600] =	vst v63  }
0x30: {  	_ =	swait.ge [sflag:s30], $0x40  }
0x31: {  	[sflag:s30] =	ssyncset.done $0x0  }
0x32: {  	[sflag:s30] =	ssyncadd.s32 $0xFFFFFFC0  }
0x33: {  	[tilespmem:s31], [sflag:$0x3] =	stream.indirect.gather [hbm4b:s1+s22], $0x80, s19, s22, $0xb8;
	[tilespmem:$0xA600] =	vst v63  }
0x34: {  	s10 =	simm.s32 $0x120;
	s18 =	simm.s32 $0x5200  }
0x35: {  	[tilespmem:s18], [sflag:$0x7] =	stream.indirect.gather [hbm4b:s1+s22], $0x80, s10, s22, $0xb8;
	[tilespmem:$0xA600] =	vst v63  }
0x36: {  	_ =	swait.ge [sflag:s3], $0x40  }
0x37: {  	[sflag:s3] =	ssyncset.done $0x0  }
0x38: {  	[sflag:s3] =	ssyncadd.s32 $0xFFFFFFC0  }
0x39: {  	[tilespmem:s20], [sflag:$0x4] =	stream.indirect.gather [hbm4b:s1+s22], $0x80, s11, s22, $0xb8;
	[tilespmem:$0xA600] =	vst v63  }
0x3a: {  	s18 =	simm.s32 $0x1A0  }
0x3b: {  	[tilespmem:s28], [sflag:$0x8] =	stream.indirect.gather [hbm4b:s1+s22], $0x80, s18, s22, $0xb8;
	[tilespmem:$0xA600] =	vst v63  }
0x3c: {  	_ =	swait.ge [sflag:s29], $0x2000  }
0x3d: {  	[sflag:s29] =	ssyncset.done $0x0  }
0x3e: {  	s18 =	simm.s32 @!p0 $0xA;
	[sflag:s29] =	ssyncadd.s32 $0xFFFFE000  }
0x3f: {  	_ =	swait.ge @!p0 [sflag:s18], $0x400  }
0x40: {  	[sflag:s18] =	ssyncset.done @!p0 $0x0  }
0x41: {  	s10 =	rddreg [dreg:$0xa];
	[sflag:s18] =	ssyncadd.s32 @!p0 $0xFFFFFC00  }
0x42: {  	[hbm4b:s10+s9] =	stream.linear.scatter @!p0 [tilespmem:s17], [sflag:$0xB], $0x400, $0x38;
	[tilespmem:$0xA600] =	vst v63  }
0x43: {  	_ =	swait.ge [sflag:s21], $0x1000  }
0x44: {  	[sflag:s21] =	ssyncset.done $0x0  }
0x45: {  	s17 =	simm.s32 $0x0;
	s9 =	simm.s32 $0x200;
	[sflag:s21] =	ssyncadd.s32 $0xFFFFF000  }
.LBB2_2:
0x46: {  	p1 =	sne.s32 s9, $0x3E00;
	v0 =	vld [tilespmem:s17+$0x8270]  }
0x47: {  	v1 =	vld [tilespmem:s17+$0x8200]  }
0x48: {  	v2 =	vld [tilespmem:s17+$0x8210]  }
0x49: {  	v3 =	vld [tilespmem:s17+$0x8220]  }
0x4a: {  	v4 =	vld [tilespmem:s17+$0x8230]  }
0x4b: {  	[tilespmem:s17+$0x270] =	vst.add.f32.msk $0xffff, v0  }
0x4c: {  	v0 =	vld [tilespmem:s17+$0x8240]  }
0x4d: {  	v5 =	vld [tilespmem:s17+$0x8250]  }
0x4e: {  	v6 =	vld [tilespmem:s17+$0x8260]  }
0x4f: {  	[tilespmem:s17+$0x200] =	vst.add.f32.msk $0xffff, v1  }
0x50: {  	[tilespmem:s17+$0x210] =	vst.add.f32.msk $0xffff, v2  }
.Ltmp0:
0x51: {  	[tilespmem:s17+$0x220] =	vst.add.f32.msk $0xffff, v3;
	(pc) =	sbr.rel @p1 .LBB2_2-.Ltmp0, $4  }
0x52: {  	[tilespmem:s17+$0x230] =	vst.add.f32.msk $0xffff, v4  }
0x53: {  	[tilespmem:s17+$0x240] =	vst.add.f32.msk $0xffff, v0  }
0x54: {  	[tilespmem:s17+$0x250] =	vst.add.f32.msk $0xffff, v5  }
0x55: {  	[tilespmem:s17+$0x260] =	vst.add.f32.msk $0xffff, v6;
	s17 =	sshra.s32 s9, $0x2;
	s9 =	sadd.s32 $0x200, s9  }
0x56: {  	v0 =	vld [tilespmem:s17+$0x8270]  }
0x57: {  	v1 =	vld [tilespmem:s17+$0x8200]  }
0x58: {  	v2 =	vld [tilespmem:s17+$0x8210]  }
0x59: {  	v3 =	vld [tilespmem:s17+$0x8220]  }
0x5a: {  	v4 =	vld [tilespmem:s17+$0x8230]  }
0x5b: {  	v63 =	vld [tilespmem:s17+$0x8240]  }
0x5c: {  	v5 =	vld [tilespmem:s17+$0x8250]  }
0x5d: {  	v6 =	vld [tilespmem:s17+$0x8260]  }
0x5e: {  	[tilespmem:s17+$0x270] =	vst.add.f32.msk $0xffff, v0  }
0x5f: {  	[tilespmem:s17+$0x200] =	vst.add.f32.msk $0xffff, v1  }
0x60: {  	[tilespmem:s17+$0x210] =	vst.add.f32.msk $0xffff, v2  }
0x61: {  	[tilespmem:s17+$0x220] =	vst.add.f32.msk $0xffff, v3  }
0x62: {  	[tilespmem:s17+$0x230] =	vst.add.f32.msk $0xffff, v4  }
0x63: {  	[tilespmem:s17+$0x240] =	vst.add.f32.msk $0xffff, v63  }
0x64: {  	[tilespmem:s17+$0x250] =	vst.add.f32.msk $0xffff, v5  }
0x65: {  	[tilespmem:s17+$0x260] =	vst.add.f32.msk $0xffff, v6  }
0x66: {  	_ =	swait.ge [sflag:s2], $0x1000  }
0x67: {  	[sflag:s2] =	ssyncset.done $0x0  }
0x68: {  	s9 =	simm.s32 $0x200;
	s17 =	simm.s32 $0x0;
	[sflag:s2] =	ssyncadd.s32 $0xFFFFF000  }
.LBB2_4:
0x69: {  	p1 =	sne.s32 s9, $0x3E00;
	v0 =	vld [tilespmem:s17+$0x9270]  }
0x6a: {  	v1 =	vld [tilespmem:s17+$0x9200]  }
0x6b: {  	v2 =	vld [tilespmem:s17+$0x9210]  }
0x6c: {  	v3 =	vld [tilespmem:s17+$0x9220]  }
0x6d: {  	v4 =	vld [tilespmem:s17+$0x9230]  }
0x6e: {  	[tilespmem:s17+$0x1270] =	vst.add.f32.msk $0xffff, v0  }
0x6f: {  	v0 =	vld [tilespmem:s17+$0x9240]  }
0x70: {  	v5 =	vld [tilespmem:s17+$0x9250]  }
0x71: {  	v6 =	vld [tilespmem:s17+$0x9260]  }
0x72: {  	[tilespmem:s17+$0x1200] =	vst.add.f32.msk $0xffff, v1  }
0x73: {  	[tilespmem:s17+$0x1210] =	vst.add.f32.msk $0xffff, v2  }
.Ltmp1:
0x74: {  	[tilespmem:s17+$0x1220] =	vst.add.f32.msk $0xffff, v3;
	(pc) =	sbr.rel @p1 .LBB2_4-.Ltmp1, $4  }
0x75: {  	[tilespmem:s17+$0x1230] =	vst.add.f32.msk $0xffff, v4  }
0x76: {  	[tilespmem:s17+$0x1240] =	vst.add.f32.msk $0xffff, v0  }
0x77: {  	[tilespmem:s17+$0x1250] =	vst.add.f32.msk $0xffff, v5  }
0x78: {  	[tilespmem:s17+$0x1260] =	vst.add.f32.msk $0xffff, v6;
	s17 =	sshra.s32 s9, $0x2;
	s9 =	sadd.s32 $0x200, s9  }
0x79: {  	v0 =	vld [tilespmem:s17+$0x9270]  }
0x7a: {  	v1 =	vld [tilespmem:s17+$0x9200]  }
0x7b: {  	v2 =	vld [tilespmem:s17+$0x9210]  }
0x7c: {  	v3 =	vld [tilespmem:s17+$0x9220]  }
0x7d: {  	v4 =	vld [tilespmem:s17+$0x9230]  }
0x7e: {  	v63 =	vld [tilespmem:s17+$0x9240]  }
0x7f: {  	v5 =	vld [tilespmem:s17+$0x9250]  }
0x80: {  	v6 =	vld [tilespmem:s17+$0x9260]  }
0x81: {  	[tilespmem:s17+$0x1270] =	vst.add.f32.msk $0xffff, v0  }
0x82: {  	[tilespmem:s17+$0x1200] =	vst.add.f32.msk $0xffff, v1  }
0x83: {  	[tilespmem:s17+$0x1210] =	vst.add.f32.msk $0xffff, v2  }
0x84: {  	[tilespmem:s17+$0x1220] =	vst.add.f32.msk $0xffff, v3  }
0x85: {  	[tilespmem:s17+$0x1230] =	vst.add.f32.msk $0xffff, v4  }
0x86: {  	[tilespmem:s17+$0x1240] =	vst.add.f32.msk $0xffff, v63  }
0x87: {  	[tilespmem:s17+$0x1250] =	vst.add.f32.msk $0xffff, v5  }
0x88: {  	s9 =	simm.s32 $0x0;
	s10 =	rddreg [dreg:$0xb];
	[tilespmem:s17+$0x1260] =	vst.add.f32.msk $0xffff, v6  }
0x89: {  	[hbm4b:s10+s9] =	stream.linear.scatter [tilespmem:s23], [sflag:$0xB], $0x2000, $0x38;
	[tilespmem:$0xA600] =	vst v63  }
0x8a: {  	_ =	swait.ge [sflag:s25], $0x1000  }
0x8b: {  	[sflag:s25] =	ssyncset.done $0x0  }
0x8c: {  	s17 =	simm.s32 $0x0;
	s9 =	simm.s32 $0x200;
	[sflag:s25] =	ssyncadd.s32 $0xFFFFF000  }
.LBB2_6:
0x8d: {  	p1 =	sne.s32 s9, $0x3E00;
	v0 =	vld [tilespmem:s17+$0x8270]  }
0x8e: {  	v1 =	vld [tilespmem:s17+$0x8200]  }
0x8f: {  	v2 =	vld [tilespmem:s17+$0x8210]  }
0x90: {  	v3 =	vld [tilespmem:s17+$0x8220]  }
0x91: {  	v4 =	vld [tilespmem:s17+$0x8230]  }
0x92: {  	[tilespmem:s17+$0x2270] =	vst.add.f32.msk $0xffff, v0  }
0x93: {  	v0 =	vld [tilespmem:s17+$0x8240]  }
0x94: {  	v5 =	vld [tilespmem:s17+$0x8250]  }
0x95: {  	v6 =	vld [tilespmem:s17+$0x8260]  }
0x96: {  	[tilespmem:s17+$0x2200] =	vst.add.f32.msk $0xffff, v1  }
0x97: {  	[tilespmem:s17+$0x2210] =	vst.add.f32.msk $0xffff, v2  }
.Ltmp2:
0x98: {  	[tilespmem:s17+$0x2220] =	vst.add.f32.msk $0xffff, v3;
	(pc) =	sbr.rel @p1 .LBB2_6-.Ltmp2, $4  }
0x99: {  	[tilespmem:s17+$0x2230] =	vst.add.f32.msk $0xffff, v4  }
0x9a: {  	[tilespmem:s17+$0x2240] =	vst.add.f32.msk $0xffff, v0  }
0x9b: {  	[tilespmem:s17+$0x2250] =	vst.add.f32.msk $0xffff, v5  }
0x9c: {  	[tilespmem:s17+$0x2260] =	vst.add.f32.msk $0xffff, v6;
	s17 =	sshra.s32 s9, $0x2;
	s9 =	sadd.s32 $0x200, s9  }
0x9d: {  	v0 =	vld [tilespmem:s17+$0x8270]  }
0x9e: {  	v1 =	vld [tilespmem:s17+$0x8200]  }
0x9f: {  	v2 =	vld [tilespmem:s17+$0x8210]  }
0xa0: {  	v3 =	vld [tilespmem:s17+$0x8220]  }
0xa1: {  	v4 =	vld [tilespmem:s17+$0x8230]  }
0xa2: {  	v63 =	vld [tilespmem:s17+$0x8240]  }
0xa3: {  	v5 =	vld [tilespmem:s17+$0x8250]  }
0xa4: {  	v6 =	vld [tilespmem:s17+$0x8260]  }
0xa5: {  	[tilespmem:s17+$0x2270] =	vst.add.f32.msk $0xffff, v0  }
0xa6: {  	[tilespmem:s17+$0x2200] =	vst.add.f32.msk $0xffff, v1  }
0xa7: {  	[tilespmem:s17+$0x2210] =	vst.add.f32.msk $0xffff, v2  }
0xa8: {  	[tilespmem:s17+$0x2220] =	vst.add.f32.msk $0xffff, v3  }
0xa9: {  	[tilespmem:s17+$0x2230] =	vst.add.f32.msk $0xffff, v4  }
0xaa: {  	[tilespmem:s17+$0x2240] =	vst.add.f32.msk $0xffff, v63  }
0xab: {  	[tilespmem:s17+$0x2250] =	vst.add.f32.msk $0xffff, v5  }
0xac: {  	[tilespmem:s17+$0x2260] =	vst.add.f32.msk $0xffff, v6  }
0xad: {  	_ =	swait.ge [sflag:s0], $0x1000  }
0xae: {  	[sflag:s0] =	ssyncset.done $0x0  }
0xaf: {  	s9 =	simm.s32 $0x200;
	s17 =	simm.s32 $0x0;
	[sflag:s0] =	ssyncadd.s32 $0xFFFFF000  }
.LBB2_8:
0xb0: {  	p1 =	sne.s32 s9, $0x3E00;
	v0 =	vld [tilespmem:s17+$0x9270]  }
0xb1: {  	v1 =	vld [tilespmem:s17+$0x9200]  }
0xb2: {  	v2 =	vld [tilespmem:s17+$0x9210]  }
0xb3: {  	v3 =	vld [tilespmem:s17+$0x9220]  }
0xb4: {  	v4 =	vld [tilespmem:s17+$0x9230]  }
0xb5: {  	[tilespmem:s17+$0x3270] =	vst.add.f32.msk $0xffff, v0  }
0xb6: {  	v0 =	vld [tilespmem:s17+$0x9240]  }
0xb7: {  	v5 =	vld [tilespmem:s17+$0x9250]  }
0xb8: {  	v6 =	vld [tilespmem:s17+$0x9260]  }
0xb9: {  	[tilespmem:s17+$0x3200] =	vst.add.f32.msk $0xffff, v1  }
0xba: {  	[tilespmem:s17+$0x3210] =	vst.add.f32.msk $0xffff, v2  }
.Ltmp3:
0xbb: {  	[tilespmem:s17+$0x3220] =	vst.add.f32.msk $0xffff, v3;
	(pc) =	sbr.rel @p1 .LBB2_8-.Ltmp3, $4  }
0xbc: {  	[tilespmem:s17+$0x3230] =	vst.add.f32.msk $0xffff, v4  }
0xbd: {  	[tilespmem:s17+$0x3240] =	vst.add.f32.msk $0xffff, v0  }
0xbe: {  	[tilespmem:s17+$0x3250] =	vst.add.f32.msk $0xffff, v5  }
0xbf: {  	[tilespmem:s17+$0x3260] =	vst.add.f32.msk $0xffff, v6;
	s17 =	sshra.s32 s9, $0x2;
	s9 =	sadd.s32 $0x200, s9  }
0xc0: {  	v0 =	vld [tilespmem:s17+$0x9270]  }
0xc1: {  	v1 =	vld [tilespmem:s17+$0x9200]  }
0xc2: {  	v2 =	vld [tilespmem:s17+$0x9210]  }
0xc3: {  	v3 =	vld [tilespmem:s17+$0x9220]  }
0xc4: {  	v4 =	vld [tilespmem:s17+$0x9230]  }
0xc5: {  	v63 =	vld [tilespmem:s17+$0x9240]  }
0xc6: {  	v5 =	vld [tilespmem:s17+$0x9250]  }
0xc7: {  	v6 =	vld [tilespmem:s17+$0x9260]  }
0xc8: {  	[tilespmem:s17+$0x3270] =	vst.add.f32.msk $0xffff, v0  }
0xc9: {  	[tilespmem:s17+$0x3200] =	vst.add.f32.msk $0xffff, v1  }
0xca: {  	[tilespmem:s17+$0x3210] =	vst.add.f32.msk $0xffff, v2  }
0xcb: {  	[tilespmem:s17+$0x3220] =	vst.add.f32.msk $0xffff, v3  }
0xcc: {  	[tilespmem:s17+$0x3230] =	vst.add.f32.msk $0xffff, v4  }
0xcd: {  	[tilespmem:s17+$0x3240] =	vst.add.f32.msk $0xffff, v63  }
0xce: {  	[tilespmem:s17+$0x3250] =	vst.add.f32.msk $0xffff, v5  }
0xcf: {  	s9 =	simm.s32 $0x0;
	[tilespmem:s17+$0x3260] =	vst.add.f32.msk $0xffff, v6  }
0xd0: {  	[hbm4b:s12+s9] =	stream.linear.scatter [tilespmem:s26], [sflag:$0xB], $0x2000, $0x38;
	[tilespmem:$0xA600] =	vst v63  }
0xd1: {  	_ =	swait.ge [sflag:s30], $0x1000  }
0xd2: {  	[sflag:s30] =	ssyncset.done $0x0  }
0xd3: {  	s17 =	simm.s32 $0x0;
	s9 =	simm.s32 $0x200;
	[sflag:s30] =	ssyncadd.s32 $0xFFFFF000  }
.LBB2_10:
0xd4: {  	p1 =	sne.s32 s9, $0x3E00;
	v0 =	vld [tilespmem:s17+$0x8270]  }
0xd5: {  	v1 =	vld [tilespmem:s17+$0x8200]  }
0xd6: {  	v2 =	vld [tilespmem:s17+$0x8210]  }
0xd7: {  	v3 =	vld [tilespmem:s17+$0x8220]  }
0xd8: {  	v4 =	vld [tilespmem:s17+$0x8230]  }
0xd9: {  	[tilespmem:s17+$0x4270] =	vst.add.f32.msk $0xffff, v0  }
0xda: {  	v0 =	vld [tilespmem:s17+$0x8240]  }
0xdb: {  	v5 =	vld [tilespmem:s17+$0x8250]  }
0xdc: {  	v6 =	vld [tilespmem:s17+$0x8260]  }
0xdd: {  	[tilespmem:s17+$0x4200] =	vst.add.f32.msk $0xffff, v1  }
0xde: {  	[tilespmem:s17+$0x4210] =	vst.add.f32.msk $0xffff, v2  }
.Ltmp4:
0xdf: {  	[tilespmem:s17+$0x4220] =	vst.add.f32.msk $0xffff, v3;
	(pc) =	sbr.rel @p1 .LBB2_10-.Ltmp4, $4  }
0xe0: {  	[tilespmem:s17+$0x4230] =	vst.add.f32.msk $0xffff, v4  }
0xe1: {  	[tilespmem:s17+$0x4240] =	vst.add.f32.msk $0xffff, v0  }
0xe2: {  	[tilespmem:s17+$0x4250] =	vst.add.f32.msk $0xffff, v5  }
0xe3: {  	[tilespmem:s17+$0x4260] =	vst.add.f32.msk $0xffff, v6;
	s17 =	sshra.s32 s9, $0x2;
	s9 =	sadd.s32 $0x200, s9  }
0xe4: {  	v0 =	vld [tilespmem:s17+$0x8270]  }
0xe5: {  	v1 =	vld [tilespmem:s17+$0x8200]  }
0xe6: {  	v2 =	vld [tilespmem:s17+$0x8210]  }
0xe7: {  	v3 =	vld [tilespmem:s17+$0x8220]  }
0xe8: {  	v4 =	vld [tilespmem:s17+$0x8230]  }
0xe9: {  	v63 =	vld [tilespmem:s17+$0x8240]  }
0xea: {  	v5 =	vld [tilespmem:s17+$0x8250]  }
0xeb: {  	v6 =	vld [tilespmem:s17+$0x8260]  }
0xec: {  	[tilespmem:s17+$0x4270] =	vst.add.f32.msk $0xffff, v0  }
0xed: {  	[tilespmem:s17+$0x4200] =	vst.add.f32.msk $0xffff, v1  }
0xee: {  	[tilespmem:s17+$0x4210] =	vst.add.f32.msk $0xffff, v2  }
0xef: {  	[tilespmem:s17+$0x4220] =	vst.add.f32.msk $0xffff, v3  }
0xf0: {  	[tilespmem:s17+$0x4230] =	vst.add.f32.msk $0xffff, v4  }
0xf1: {  	[tilespmem:s17+$0x4240] =	vst.add.f32.msk $0xffff, v63  }
0xf2: {  	[tilespmem:s17+$0x4250] =	vst.add.f32.msk $0xffff, v5  }
0xf3: {  	[tilespmem:s17+$0x4260] =	vst.add.f32.msk $0xffff, v6  }
0xf4: {  	_ =	swait.ge [sflag:s24], $0x1000  }
0xf5: {  	[sflag:s24] =	ssyncset.done $0x0  }
0xf6: {  	s9 =	simm.s32 $0x200;
	s17 =	simm.s32 $0x0;
	[sflag:s24] =	ssyncadd.s32 $0xFFFFF000  }
.LBB2_12:
0xf7: {  	p1 =	sne.s32 s9, $0x3E00;
	v0 =	vld [tilespmem:s17+$0x9270]  }
0xf8: {  	v1 =	vld [tilespmem:s17+$0x9200]  }
0xf9: {  	v2 =	vld [tilespmem:s17+$0x9210]  }
0xfa: {  	v3 =	vld [tilespmem:s17+$0x9220]  }
0xfb: {  	v4 =	vld [tilespmem:s17+$0x9230]  }
0xfc: {  	[tilespmem:s17+$0x5270] =	vst.add.f32.msk $0xffff, v0  }
0xfd: {  	v0 =	vld [tilespmem:s17+$0x9240]  }
0xfe: {  	v5 =	vld [tilespmem:s17+$0x9250]  }
0xff: {  	v6 =	vld [tilespmem:s17+$0x9260]  }
0x100: {  	[tilespmem:s17+$0x5200] =	vst.add.f32.msk $0xffff, v1  }
0x101: {  	[tilespmem:s17+$0x5210] =	vst.add.f32.msk $0xffff, v2  }
.Ltmp5:
0x102: {  	[tilespmem:s17+$0x5220] =	vst.add.f32.msk $0xffff, v3;
	(pc) =	sbr.rel @p1 .LBB2_12-.Ltmp5, $4  }
0x103: {  	[tilespmem:s17+$0x5230] =	vst.add.f32.msk $0xffff, v4  }
0x104: {  	[tilespmem:s17+$0x5240] =	vst.add.f32.msk $0xffff, v0  }
0x105: {  	[tilespmem:s17+$0x5250] =	vst.add.f32.msk $0xffff, v5  }
0x106: {  	[tilespmem:s17+$0x5260] =	vst.add.f32.msk $0xffff, v6;
	s17 =	sshra.s32 s9, $0x2;
	s9 =	sadd.s32 $0x200, s9  }
0x107: {  	v0 =	vld [tilespmem:s17+$0x9270]  }
0x108: {  	v1 =	vld [tilespmem:s17+$0x9200]  }
0x109: {  	v2 =	vld [tilespmem:s17+$0x9210]  }
0x10a: {  	v3 =	vld [tilespmem:s17+$0x9220]  }
0x10b: {  	v4 =	vld [tilespmem:s17+$0x9230]  }
0x10c: {  	v63 =	vld [tilespmem:s17+$0x9240]  }
0x10d: {  	v5 =	vld [tilespmem:s17+$0x9250]  }
0x10e: {  	v6 =	vld [tilespmem:s17+$0x9260]  }
0x10f: {  	[tilespmem:s17+$0x5270] =	vst.add.f32.msk $0xffff, v0  }
0x110: {  	[tilespmem:s17+$0x5200] =	vst.add.f32.msk $0xffff, v1  }
0x111: {  	[tilespmem:s17+$0x5210] =	vst.add.f32.msk $0xffff, v2  }
0x112: {  	[tilespmem:s17+$0x5220] =	vst.add.f32.msk $0xffff, v3  }
0x113: {  	[tilespmem:s17+$0x5230] =	vst.add.f32.msk $0xffff, v4  }
0x114: {  	[tilespmem:s17+$0x5240] =	vst.add.f32.msk $0xffff, v63  }
0x115: {  	[tilespmem:s17+$0x5250] =	vst.add.f32.msk $0xffff, v5  }
0x116: {  	s9 =	simm.s32 $0x0;
	[tilespmem:s17+$0x5260] =	vst.add.f32.msk $0xffff, v6  }
0x117: {  	[hbm4b:s13+s9] =	stream.linear.scatter [tilespmem:s31], [sflag:$0xB], $0x2000, $0x38;
	[tilespmem:$0xA600] =	vst v63  }
0x118: {  	_ =	swait.ge [sflag:s3], $0x1000  }
0x119: {  	[sflag:s3] =	ssyncset.done $0x0  }
0x11a: {  	s17 =	simm.s32 $0x0;
	s9 =	simm.s32 $0x200;
	[sflag:s3] =	ssyncadd.s32 $0xFFFFF000  }
.LBB2_14:
0x11b: {  	p1 =	sne.s32 s9, $0x3E00;
	v0 =	vld [tilespmem:s17+$0x8270]  }
0x11c: {  	v1 =	vld [tilespmem:s17+$0x8200]  }
0x11d: {  	v2 =	vld [tilespmem:s17+$0x8210]  }
0x11e: {  	v3 =	vld [tilespmem:s17+$0x8220]  }
0x11f: {  	v4 =	vld [tilespmem:s17+$0x8230]  }
0x120: {  	[tilespmem:s17+$0x6270] =	vst.add.f32.msk $0xffff, v0  }
0x121: {  	v0 =	vld [tilespmem:s17+$0x8240]  }
0x122: {  	v5 =	vld [tilespmem:s17+$0x8250]  }
0x123: {  	v6 =	vld [tilespmem:s17+$0x8260]  }
0x124: {  	[tilespmem:s17+$0x6200] =	vst.add.f32.msk $0xffff, v1  }
0x125: {  	[tilespmem:s17+$0x6210] =	vst.add.f32.msk $0xffff, v2  }
.Ltmp6:
0x126: {  	[tilespmem:s17+$0x6220] =	vst.add.f32.msk $0xffff, v3;
	(pc) =	sbr.rel @p1 .LBB2_14-.Ltmp6, $4  }
0x127: {  	[tilespmem:s17+$0x6230] =	vst.add.f32.msk $0xffff, v4  }
0x128: {  	[tilespmem:s17+$0x6240] =	vst.add.f32.msk $0xffff, v0  }
0x129: {  	[tilespmem:s17+$0x6250] =	vst.add.f32.msk $0xffff, v5  }
0x12a: {  	[tilespmem:s17+$0x6260] =	vst.add.f32.msk $0xffff, v6;
	s17 =	sshra.s32 s9, $0x2;
	s9 =	sadd.s32 $0x200, s9  }
0x12b: {  	v0 =	vld [tilespmem:s17+$0x8270]  }
0x12c: {  	v1 =	vld [tilespmem:s17+$0x8200]  }
0x12d: {  	v2 =	vld [tilespmem:s17+$0x8210]  }
0x12e: {  	v3 =	vld [tilespmem:s17+$0x8220]  }
0x12f: {  	v4 =	vld [tilespmem:s17+$0x8230]  }
0x130: {  	v63 =	vld [tilespmem:s17+$0x8240]  }
0x131: {  	v5 =	vld [tilespmem:s17+$0x8250]  }
0x132: {  	v6 =	vld [tilespmem:s17+$0x8260]  }
0x133: {  	[tilespmem:s17+$0x6270] =	vst.add.f32.msk $0xffff, v0  }
0x134: {  	[tilespmem:s17+$0x6200] =	vst.add.f32.msk $0xffff, v1  }
0x135: {  	[tilespmem:s17+$0x6210] =	vst.add.f32.msk $0xffff, v2  }
0x136: {  	[tilespmem:s17+$0x6220] =	vst.add.f32.msk $0xffff, v3  }
0x137: {  	[tilespmem:s17+$0x6230] =	vst.add.f32.msk $0xffff, v4  }
0x138: {  	[tilespmem:s17+$0x6240] =	vst.add.f32.msk $0xffff, v63  }
0x139: {  	[tilespmem:s17+$0x6250] =	vst.add.f32.msk $0xffff, v5  }
0x13a: {  	s9 =	simm.s32 $0x0;
	[tilespmem:s17+$0x6260] =	vst.add.f32.msk $0xffff, v6  }
0x13b: {  	[hbm4b:s14+s9] =	stream.linear.scatter [tilespmem:s20], [sflag:$0xB], $0x1000, $0x38;
	[tilespmem:$0xA600] =	vst v63  }
0x13c: {  	_ =	swait.ge [sflag:s6], $0x1000  }
0x13d: {  	[sflag:s6] =	ssyncset.done $0x0  }
0x13e: {  	s17 =	simm.s32 $0x0;
	s9 =	simm.s32 $0x200;
	[sflag:s6] =	ssyncadd.s32 $0xFFFFF000  }
.LBB2_16:
0x13f: {  	p1 =	sne.s32 s9, $0x3E00;
	v0 =	vld [tilespmem:s17+$0x9270]  }
0x140: {  	v1 =	vld [tilespmem:s17+$0x9200]  }
0x141: {  	v2 =	vld [tilespmem:s17+$0x9210]  }
0x142: {  	v3 =	vld [tilespmem:s17+$0x9220]  }
0x143: {  	v4 =	vld [tilespmem:s17+$0x9230]  }
0x144: {  	[tilespmem:s17+$0x7270] =	vst.add.f32.msk $0xffff, v0  }
0x145: {  	v0 =	vld [tilespmem:s17+$0x9240]  }
0x146: {  	v5 =	vld [tilespmem:s17+$0x9250]  }
0x147: {  	v6 =	vld [tilespmem:s17+$0x9260]  }
0x148: {  	[tilespmem:s17+$0x7200] =	vst.add.f32.msk $0xffff, v1  }
0x149: {  	[tilespmem:s17+$0x7210] =	vst.add.f32.msk $0xffff, v2  }
.Ltmp7:
0x14a: {  	[tilespmem:s17+$0x7220] =	vst.add.f32.msk $0xffff, v3;
	(pc) =	sbr.rel @p1 .LBB2_16-.Ltmp7, $4  }
0x14b: {  	[tilespmem:s17+$0x7230] =	vst.add.f32.msk $0xffff, v4  }
0x14c: {  	[tilespmem:s17+$0x7240] =	vst.add.f32.msk $0xffff, v0  }
0x14d: {  	[tilespmem:s17+$0x7250] =	vst.add.f32.msk $0xffff, v5  }
0x14e: {  	[tilespmem:s17+$0x7260] =	vst.add.f32.msk $0xffff, v6;
	s17 =	sshra.s32 s9, $0x2;
	s9 =	sadd.s32 $0x200, s9  }
0x14f: {  	v0 =	vld [tilespmem:s17+$0x9270]  }
0x150: {  	v1 =	vld [tilespmem:s17+$0x9200]  }
0x151: {  	v2 =	vld [tilespmem:s17+$0x9210]  }
0x152: {  	v3 =	vld [tilespmem:s17+$0x9220]  }
0x153: {  	v4 =	vld [tilespmem:s17+$0x9230]  }
0x154: {  	v63 =	vld [tilespmem:s17+$0x9240]  }
0x155: {  	v5 =	vld [tilespmem:s17+$0x9250]  }
0x156: {  	v6 =	vld [tilespmem:s17+$0x9260]  }
0x157: {  	[tilespmem:s17+$0x7270] =	vst.add.f32.msk $0xffff, v0  }
0x158: {  	[tilespmem:s17+$0x7200] =	vst.add.f32.msk $0xffff, v1  }
0x159: {  	[tilespmem:s17+$0x7210] =	vst.add.f32.msk $0xffff, v2  }
0x15a: {  	[tilespmem:s17+$0x7220] =	vst.add.f32.msk $0xffff, v3  }
0x15b: {  	[tilespmem:s17+$0x7230] =	vst.add.f32.msk $0xffff, v4  }
0x15c: {  	[tilespmem:s17+$0x7240] =	vst.add.f32.msk $0xffff, v63  }
0x15d: {  	[tilespmem:s17+$0x7250] =	vst.add.f32.msk $0xffff, v5  }
0x15e: {  	[tilespmem:s17+$0x7260] =	vst.add.f32.msk $0xffff, v6  }
0x15f: {  	[hbm4b:s15+s4] =	stream.linear.scatter [tilespmem:s28], [sflag:$0xB], $0x1000, $0x38;
	[tilespmem:$0xA600] =	vst v63  }
0x160: {  	_ =	swait.ge [sflag:s7], $0x2000  }
0x161: {  	[sflag:s7] =	ssyncset.done $0x0  }
0x162: {  	[sflag:s7] =	ssyncadd.s32 $0xFFFFE000  }
0x163: {  	_ =	swait.ge [sflag:s7], $0x2000  }
0x164: {  	[sflag:s7] =	ssyncset.done $0x0  }
0x165: {  	[sflag:s7] =	ssyncadd.s32 $0xFFFFE000  }
0x166: {  	_ =	swait.ge [sflag:s7], $0x2000  }
0x167: {  	[sflag:s7] =	ssyncset.done $0x0  }
0x168: {  	[sflag:s7] =	ssyncadd.s32 $0xFFFFE000  }
0x169: {  	_ =	swait.ge [sflag:s7], $0x1000  }
0x16a: {  	[sflag:s7] =	ssyncset.done $0x0  }
0x16b: {  	s8 =	sadd.s32 $0x1, s8;
	[sflag:s7] =	ssyncadd.s32 $0xFFFFF000  }
0x16c: {  	p1 =	sne.s32 s8, s16;
	_ =	swait.ge [sflag:s7], $0x1000  }
.Ltmp8:
0x16d: {  	[sflag:s7] =	ssyncset.done $0x0;
	(pc) =	sbr.rel @p1 .LBB2_1-.Ltmp8, $4  }
0x16e: {  	s9 =	simm.s32 @!p0 $0xB;
	[sflag:s7] =	ssyncadd.s32 $0xFFFFF000  }
0x16f: {  	_ =	swait.ge @!p0 [sflag:s9], $0x400  }
0x170: {  	[sflag:s9] =	ssyncset.done @!p0 $0x0  }
0x171: {  	[sflag:s9] =	ssyncadd.s32 @!p0 $0xFFFFFC00  }
0x172: {  	_ =	sfence.sel $0x180000  }
0x173: {  	[bflag:$0x0] =	sbarrier.arrive $0xFFFF  }
0x174: {  	_ =	strace $0x90000047  }
0x175: {  	s0 =	stileid.u32;
	[bflag:$0x2] =	sbarrier.arrive $0xFFFF  }
0x176: {  	p0 =	sne.s32 s0, $0x0;
	s0 =	rddreg [dreg:$0x5]  }
0x177: {  	s0 =	sadd.s32 @!p0 $0x100000, s0  }
0x178: {  	[sflag:s0] =	ssyncadd.tile.s32 @!p0 $0x1;
	_ =	shalt  }
.Lfunc_end2:
_tile_overlayer_lowered:
.L_overlay_start_2:
0x179: {  	(tag) =	ssettag $0x2  }
0x17a: {  	s0 =	rddreg [dreg:$0x0];
	s2 =	stileid.u32  }
0x17b: {  	s1 =	rddreg [dreg:$0x1];
	p0 =	sne.s32 s2, $0x0  }
0x17c: {  	s3 =	rddreg [dreg:$0x2];
	[bflag:$0x3] =	sbarrier.arrive $0xFFFF;
	s2 =	simm.s32 @!p0 $0x1C0C  }
0x17d: {  	[timem:s3], [sflag:s2] =	dma.local @!p0 [hbm:s0], s1  }
0x17e: {  	s0 =	simm.s32 @!p0 $0xC  }
0x17f: {  	_ =	swait.ge @!p0 [sflag:s0], s1  }
0x180: {  	s1 =	ssub.s32 @!p0 $0x0, s1;
	[sflag:s0] =	ssyncset.done @!p0 $0x0  }
0x181: {  	[sflag:s0] =	ssyncadd.s32 @!p0 s1  }
0x182: {  	[bflag:$0x3] =	sbarrier.arrive $0xFFFF  }
0x183: {  	_ =	shalt  }

</sc_bundles>
